<compile_context>
chip_gen: v7x
topology: tpu7x:2x2x1
jax: 0.10.2.dev20260603
libtpu: 0.0.44.dev20260713+nightly
codegen_flags: <defaults>
</compile_context>

<pallas_src>
import functools

import jax
import jax.numpy as jnp
from jax import lax
from jax.experimental import pallas as pl
from jax.experimental.pallas import tpu as pltpu
from jax.experimental.pallas import tpu_sc as plsc

N_NODES = 10000
N_PAD = 10112
N_EDGES = 160000
E_PAD = 160256
D_HID = 16
NC = 2
NS = 16
E_PER_TILE = E_PAD // (NC * NS)
ROWS_PER_TILE = N_PAD // NS


def _splat_lane(vec, j):
    return lax.gather(
        vec, jnp.full((D_HID, 1), j, jnp.int32),
        dimension_numbers=lax.GatherDimensionNumbers(
            offset_dims=(), collapsed_slice_dims=(0,), start_index_map=(0,)),
        slice_sizes=(1,),
        mode=lax.GatherScatterMode.PROMISE_IN_BOUNDS)


def _make_sc_gcn():
    mesh = plsc.VectorSubcoreMesh(core_axis_name="c", subcore_axis_name="s")
    slab = jax.ShapeDtypeStruct((N_PAD, D_HID), jnp.float32)

    @functools.partial(
        pl.kernel,
        mesh=mesh,
        compiler_params=pltpu.CompilerParams(use_tc_tiling_on_sc=False),
        out_type=(slab, slab, slab, slab),
        scratch_types=[
            pltpu.VMEM((E_PER_TILE,), jnp.int32),
            pltpu.VMEM((E_PER_TILE,), jnp.int32),
            pltpu.VMEM((E_PER_TILE,), jnp.float32),
            pltpu.VMEM((E_PER_TILE, D_HID), jnp.float32),
            pltpu.VMEM((ROWS_PER_TILE, D_HID), jnp.float32),
            pltpu.VMEM((D_HID,), jnp.float32),
            pltpu.VMEM_SHARED((N_PAD, D_HID), jnp.float32),
            pltpu.SemaphoreType.DMA,
            pltpu.SemaphoreType.REGULAR,
        ],
    )
    def gcn(rows_hbm, cols_hbm, vals_hbm, h1_hbm, b_hbm,
            q0_hbm, q1_hbm, p0_hbm, p1_hbm,
            rows_v, cols_v, vals_v, gath_v, zbuf_v, b_v, acc_sh,
            sem, semx):
        c = lax.axis_index("c")
        s = lax.axis_index("s")
        base = (c * NS + s) * E_PER_TILE
        my_rows = pl.ds(s * ROWS_PER_TILE, ROWS_PER_TILE)

        cp_rows = pltpu.async_copy(
            rows_hbm.at[pl.ds(base, E_PER_TILE)], rows_v, sem)
        cp_cols = pltpu.async_copy(
            cols_hbm.at[pl.ds(base, E_PER_TILE)], cols_v, sem)
        cp_vals = pltpu.async_copy(
            vals_hbm.at[pl.ds(base, E_PER_TILE)], vals_v, sem)

        def zero_body(j, _):
            zbuf_v[j, :] = jnp.zeros((D_HID,), jnp.float32)
            return 0
        lax.fori_loop(0, ROWS_PER_TILE, zero_body, 0)
        pltpu.sync_copy(zbuf_v, acc_sh.at[my_rows])
        pltpu.sync_copy(b_hbm, b_v)
        bias = b_v[:]

        cp_rows.wait()
        cp_cols.wait()
        cp_vals.wait()

        def scale(fused):
            def scale_body(g, _):
                vals16 = vals_v[pl.ds(g * 16, 16)]
                for j in range(16):
                    e = g * 16 + j
                    row = gath_v[e, :]
                    if fused:
                        row = jnp.maximum(row + bias, 0.0)
                    gath_v[e, :] = row * _splat_lane(vals16, j)
                return 0
            lax.fori_loop(0, E_PER_TILE // 16, scale_body, 0)

        plsc.subcore_barrier()

        pltpu.async_copy(h1_hbm.at[cols_v], gath_v, sem).wait()
        scale(fused=False)
        pltpu.sync_copy(gath_v, acc_sh.at[rows_v], add=True)
        plsc.subcore_barrier()

        @pl.when(c == 0)
        def _():
            pltpu.sync_copy(acc_sh.at[my_rows], p0_hbm.at[my_rows])

        @pl.when(c == 1)
        def _():
            pltpu.sync_copy(acc_sh.at[my_rows], p1_hbm.at[my_rows])

        pltpu.sync_copy(zbuf_v, acc_sh.at[my_rows])
        plsc.subcore_barrier()

        pl.semaphore_signal(semx, 1, core_index=1 - c)
        pl.semaphore_wait(semx, 1)

        pltpu.async_copy(p0_hbm.at[cols_v], gath_v, sem).wait()
        pltpu.async_copy(p1_hbm.at[cols_v], gath_v, sem, add=True).wait()
        scale(fused=True)
        pltpu.sync_copy(gath_v, acc_sh.at[rows_v], add=True)
        plsc.subcore_barrier()

        @pl.when(c == 0)
        def _():
            pltpu.sync_copy(acc_sh.at[my_rows], q0_hbm.at[my_rows])

        @pl.when(c == 1)
        def _():
            pltpu.sync_copy(acc_sh.at[my_rows], q1_hbm.at[my_rows])

    return gcn


_sc_gcn = _make_sc_gcn()


def _tc_matmul1(feature, w1):
    m, k = feature.shape
    n = w1.shape[1]
    bm = 632

    def body(x_ref, w_ref, o_ref):
        o_ref[:] = jnp.dot(x_ref[:], w_ref[:],
                           preferred_element_type=jnp.float32)

    return pl.pallas_call(
        body,
        grid=(m // bm,),
        in_specs=[pl.BlockSpec((bm, k), lambda i: (i, 0)),
                  pl.BlockSpec((k, n), lambda i: (0, 0))],
        out_specs=pl.BlockSpec((bm, n), lambda i: (i, 0)),
        out_shape=jax.ShapeDtypeStruct((m, n), jnp.float32),
    )(feature, w1)


def _tc_final(q0, q1, w2, b2):
    m, k = q0.shape
    n = w2.shape[1]
    bm = 632

    def body(p_ref, q_ref, w_ref, b_ref, o_ref):
        g = p_ref[:] + q_ref[:]
        o_ref[:] = jnp.dot(g, w_ref[:],
                           preferred_element_type=jnp.float32) + b_ref[:]

    return pl.pallas_call(
        body,
        grid=(m // bm,),
        in_specs=[pl.BlockSpec((bm, k), lambda i: (i, 0)),
                  pl.BlockSpec((bm, k), lambda i: (i, 0)),
                  pl.BlockSpec((k, n), lambda i: (0, 0)),
                  pl.BlockSpec((1, n), lambda i: (0, 0))],
        out_specs=pl.BlockSpec((bm, n), lambda i: (i, 0)),
        out_shape=jax.ShapeDtypeStruct((m, n), jnp.float32),
    )(q0, q1, w2, b2)


def kernel(adjacency_edge_index, adjacency_values, feature, W1, b1, W2, b2):
    epad = E_PAD - N_EDGES
    rows = jnp.pad(adjacency_edge_index[0], (0, epad))
    cols = jnp.pad(adjacency_edge_index[1], (0, epad))
    vals = jnp.pad(adjacency_values, (0, epad))
    feature_p = jnp.pad(feature, ((0, N_PAD - N_NODES), (0, 0)))

    h1 = _tc_matmul1(feature_p, W1)
    q0, q1, _, _ = _sc_gcn(rows, cols, vals, h1, b1)
    return _tc_final(q0, q1, W2, b2.reshape(1, -1))[:N_NODES]

# --- scband reference (transcript-rebuilt; emitter-appended) ---
"""Pipeline reference for scband-net-29515015258699 (READ-ONLY COPY).

The authoritative reference and input builder live on the scoring server;
editing this copy changes nothing except your own understanding.
"""

import jax, jax.numpy as jnp
import numpy as np

N_NODES = 10000
N_EDGES = 160000
D_IN = 256
D_HID = 16
D_OUT = 7


def setup_inputs(seed: int = 0) -> dict:
    key = jax.random.key(seed)
    k1, k2, k3, k4, k5 = jax.random.split(key, 5)
    edge_index = jax.random.randint(k1, (2, N_EDGES), 0, N_NODES, dtype=jnp.int64 if jax.config.jax_enable_x64 else jnp.int32).astype(jnp.int32)
    adjacency_values = jax.random.uniform(k2, (N_EDGES,), dtype=jnp.float32)
    feature = jax.random.normal(k3, (N_NODES, D_IN), dtype=jnp.float32)
    # GCN1 params (kaiming-normal-ish init)
    W1 = jax.random.normal(k4, (D_IN, D_HID), dtype=jnp.float32) * jnp.sqrt(2.0 / D_IN)
    b1 = jnp.zeros((D_HID,), dtype=jnp.float32)
    # GCN2 params
    W2 = jax.random.normal(k5, (D_HID, D_OUT), dtype=jnp.float32) * jnp.sqrt(2.0 / D_HID)
    b2 = jnp.zeros((D_OUT,), dtype=jnp.float32)
    return {
        "adjacency_edge_index": edge_index,
        "adjacency_values": adjacency_values,
        "feature": feature,
        "W1": W1,
        "b1": b1,
        "W2": W2,
        "b2": b2,
    }


def _spmm(edge_index, values, H, n_rows):
    # out[r] = sum over edges e with row[e]==r of values[e] * H[col[e]]
    row = edge_index[0]
    col = edge_index[1]
    gathered = jnp.take(H, col, axis=0) * values[:, None]
    return jax.ops.segment_sum(gathered, row, num_segments=n_rows)


def reference(adjacency_edge_index, adjacency_values, feature, W1, b1, W2, b2):
    # GCN layer 1
    H1 = feature @ W1
    out1 = _spmm(adjacency_edge_index, adjacency_values, H1, N_NODES) + b1
    h = jax.nn.relu(out1)
    # GCN layer 2
    H2 = h @ W2
    out2 = _spmm(adjacency_edge_index, adjacency_values, H2, N_NODES) + b2
    return out2

if __name__ == "__main__":
    import jax
    _d = setup_inputs()
    print(jax.jit(kernel)(*tuple(_d.values())))

</pallas_src>

<mosaic_0001>
#map = affine_map<(d0, d1) -> (0)>
#map1 = affine_map<(d0, d1) -> (0, 0)>
module attributes {stable_mosaic.version = 14 : i64} {
  func.func @gcn(%arg0: i32, %arg1: i32, %arg2: memref<160256xi32, #tpu.memory_space<hbm>>, %arg3: memref<160256xi32, #tpu.memory_space<hbm>>, %arg4: memref<160256xf32, #tpu.memory_space<hbm>>, %arg5: memref<10112x16xf32, #tpu.memory_space<hbm>>, %arg6: memref<16xf32, #tpu.memory_space<hbm>>, %arg7: memref<10112x16xf32, #tpu.memory_space<hbm>>, %arg8: memref<10112x16xf32, #tpu.memory_space<hbm>>, %arg9: memref<10112x16xf32, #tpu.memory_space<hbm>>, %arg10: memref<10112x16xf32, #tpu.memory_space<hbm>>, %arg11: memref<5008xi32, #tpu.memory_space<vmem>>, %arg12: memref<5008xi32, #tpu.memory_space<vmem>>, %arg13: memref<5008xf32, #tpu.memory_space<vmem>>, %arg14: memref<5008x16xf32, #tpu.memory_space<vmem>>, %arg15: memref<632x16xf32, #tpu.memory_space<vmem>>, %arg16: memref<16xf32, #tpu.memory_space<vmem>>, %arg17: memref<10112x16xf32, #tpu.memory_space<vmem_shared>>, %arg18: memref<!tpu.dma_semaphore, #tpu.memory_space<semaphore_mem>>, %arg19: memref<!tpu.semaphore, #tpu.memory_space<semaphore_mem>>) attributes {dimension_semantics = [#tpu.dimension_semantics<core_parallel>, #tpu.dimension_semantics<subcore_parallel>], iteration_bounds = array<i64: 2, 16>, scalar_prefetch = 0 : i64, scratch_operands = 9 : i64, tpu.core_type = #tpu.core_type<sc_vector_subcore>, window_params = [{transform_indices = #map}, {transform_indices = #map}, {transform_indices = #map}, {transform_indices = #map1}, {transform_indices = #map}, {transform_indices = #map1}, {transform_indices = #map1}, {transform_indices = #map1}, {transform_indices = #map1}]} {
    %mul3A = arith.constant 16 : i32
    %mul3A_0 = arith.muli %arg0, %mul3A : i32
    %add3A = arith.addi %mul3A_0, %arg1 : i32
    %mul3A_1 = arith.constant 5008 : i32
    %mul3A_2 = arith.muli %add3A, %mul3A_1 : i32
    %mul3A_3 = arith.constant 632 : i32
    %mul3A_4 = arith.muli %arg1, %mul3A_3 : i32
    %dma_start3A = tpu.memref_slice %arg2[%mul3A_2] : memref<160256xi32, #tpu.memory_space<hbm>> -> memref<5008xi32, #tpu.memory_space<hbm>>
    %dma_start3A_5 = tpu.memref_slice %arg2[%mul3A_2] : memref<160256xi32, #tpu.memory_space<hbm>> -> memref<5008xi32, #tpu.memory_space<hbm>>
    tpu.enqueue_dma source(%dma_start3A_5 : memref<5008xi32, #tpu.memory_space<hbm>>) target(%arg11 : memref<5008xi32, #tpu.memory_space<vmem>>) target_semaphore(%arg18 : memref<!tpu.dma_semaphore, #tpu.memory_space<semaphore_mem>>)
    %dma_start3A_6 = tpu.memref_slice %arg3[%mul3A_2] : memref<160256xi32, #tpu.memory_space<hbm>> -> memref<5008xi32, #tpu.memory_space<hbm>>
    %dma_start3A_7 = tpu.memref_slice %arg3[%mul3A_2] : memref<160256xi32, #tpu.memory_space<hbm>> -> memref<5008xi32, #tpu.memory_space<hbm>>
    tpu.enqueue_dma source(%dma_start3A_7 : memref<5008xi32, #tpu.memory_space<hbm>>) target(%arg12 : memref<5008xi32, #tpu.memory_space<vmem>>) target_semaphore(%arg18 : memref<!tpu.dma_semaphore, #tpu.memory_space<semaphore_mem>>)
    %dma_start3A_8 = tpu.memref_slice %arg4[%mul3A_2] : memref<160256xf32, #tpu.memory_space<hbm>> -> memref<5008xf32, #tpu.memory_space<hbm>>
    %dma_start3A_9 = tpu.memref_slice %arg4[%mul3A_2] : memref<160256xf32, #tpu.memory_space<hbm>> -> memref<5008xf32, #tpu.memory_space<hbm>>
    tpu.enqueue_dma source(%dma_start3A_9 : memref<5008xf32, #tpu.memory_space<hbm>>) target(%arg13 : memref<5008xf32, #tpu.memory_space<vmem>>) target_semaphore(%arg18 : memref<!tpu.dma_semaphore, #tpu.memory_space<semaphore_mem>>)
    %scan3A = arith.constant 0 : i32
    %scan3A_10 = arith.constant 0 : i32
    %scan3A_11 = arith.constant 632 : i32
    %scan3A_12 = arith.addi %scan3A_10, %scan3A_11 : i32
    %scan3A_13 = arith.constant 1 : i32
    %scan3A_14 = scf.for %scan3A_77 = %scan3A_10 to %scan3A_12 step %scan3A_13 iter_args(%scan3A_78 = %scan3A) -> (i32)  : i32 {
      %broadcast_in_dim3A = arith.constant 0.000000e+00 : f32
      %broadcast_in_dim3A_79 = vector.broadcast %broadcast_in_dim3A : f32 to vector<16xf32>
      %swap3A = arith.index_cast %scan3A_77 : i32 to index
      %swap3A_80 = arith.constant 0 : index
      %swap3A_81 = tpu.vector_load %arg15[%swap3A, %swap3A_80] {strides = array<i32>} : memref<632x16xf32, #tpu.memory_space<vmem>>, vector<1x16xf32>,
      %swap3A_82 = vector.shape_cast %swap3A_81 : vector<1x16xf32> to vector<16xf32>
      %swap3A_83 = vector.shape_cast %broadcast_in_dim3A_79 : vector<16xf32> to vector<1x16xf32>
      tpu.vector_store %arg15[%swap3A, %swap3A_80], %swap3A_83 {strides = array<i32>} : memref<632x16xf32, #tpu.memory_space<vmem>>, vector<1x16xf32>,
      %scan3A_84 = arith.constant 0 : i32
      scf.yield %scan3A_84 : i32
    }
    %scan3A_15 = arith.constant 632 : i32
    "tpu.region"() ({
      %run_scoped3A = tpu.sem_alloc : memref<!tpu.dma_semaphore, #tpu.memory_space<semaphore_mem>>
      %dma_start3A_77 = arith.constant 0 : i32
      %dma_start3A_78 = tpu.memref_slice %arg17[%mul3A_4, %dma_start3A_77] : memref<10112x16xf32, #tpu.memory_space<vmem_shared>> -> memref<632x16xf32, #tpu.memory_space<vmem_shared>>
      %dma_start3A_79 = arith.constant 0 : i32
      %dma_start3A_80 = tpu.memref_slice %arg17[%mul3A_4, %dma_start3A_79] : memref<10112x16xf32, #tpu.memory_space<vmem_shared>> -> memref<632x16xf32, #tpu.memory_space<vmem_shared>>
      tpu.enqueue_dma source(%arg15 : memref<632x16xf32, #tpu.memory_space<vmem>>) target(%dma_start3A_80 : memref<632x16xf32, #tpu.memory_space<vmem_shared>>) target_semaphore(%run_scoped3A : memref<!tpu.dma_semaphore, #tpu.memory_space<semaphore_mem>>)
      %dma_wait3A_81 = arith.constant 0 : i32
      %dma_wait3A_82 = tpu.memref_slice %arg17[%mul3A_4, %dma_wait3A_81] : memref<10112x16xf32, #tpu.memory_space<vmem_shared>> -> memref<632x16xf32, #tpu.memory_space<vmem_shared>>
      %dma_wait3A_83 = arith.constant 0 : i32
      %dma_wait3A_84 = tpu.memref_slice %arg17[%mul3A_4, %dma_wait3A_83] : memref<10112x16xf32, #tpu.memory_space<vmem_shared>> -> memref<632x16xf32, #tpu.memory_space<vmem_shared>>
      tpu.wait_dma2 semaphore(%run_scoped3A : memref<!tpu.dma_semaphore, #tpu.memory_space<semaphore_mem>>) src(%arg15 : memref<632x16xf32, #tpu.memory_space<vmem>>) dst(%dma_wait3A_84 : memref<632x16xf32, #tpu.memory_space<vmem_shared>>)
      tpu.yield
    }) : () -> ()
    "tpu.region"() ({
      %run_scoped3A = tpu.sem_alloc : memref<!tpu.dma_semaphore, #tpu.memory_space<semaphore_mem>>
      tpu.enqueue_dma source(%arg6 : memref<16xf32, #tpu.memory_space<hbm>>) target(%arg16 : memref<16xf32, #tpu.memory_space<vmem>>) target_semaphore(%run_scoped3A : memref<!tpu.dma_semaphore, #tpu.memory_space<semaphore_mem>>)
      tpu.wait_dma2 semaphore(%run_scoped3A : memref<!tpu.dma_semaphore, #tpu.memory_space<semaphore_mem>>) src(%arg6 : memref<16xf32, #tpu.memory_space<hbm>>) dst(%arg16 : memref<16xf32, #tpu.memory_space<vmem>>)
      tpu.yield
    }) : () -> ()
    %get3A = arith.constant 0 : index
    %get3A_16 = tpu.vector_load %arg16[%get3A] {strides = array<i32>} : memref<16xf32, #tpu.memory_space<vmem>>, vector<16xf32>,
    %get3A_17 = vector.shape_cast %get3A_16 : vector<16xf32> to vector<16xf32>
    %dma_wait3A = tpu.memref_slice %arg2[%mul3A_2] : memref<160256xi32, #tpu.memory_space<hbm>> -> memref<5008xi32, #tpu.memory_space<hbm>>
    %dma_wait3A_18 = tpu.memref_slice %arg2[%mul3A_2] : memref<160256xi32, #tpu.memory_space<hbm>> -> memref<5008xi32, #tpu.memory_space<hbm>>
    tpu.wait_dma2 semaphore(%arg18 : memref<!tpu.dma_semaphore, #tpu.memory_space<semaphore_mem>>) src(%dma_wait3A_18 : memref<5008xi32, #tpu.memory_space<hbm>>) dst(%arg11 : memref<5008xi32, #tpu.memory_space<vmem>>)
    %dma_wait3A_19 = tpu.memref_slice %arg3[%mul3A_2] : memref<160256xi32, #tpu.memory_space<hbm>> -> memref<5008xi32, #tpu.memory_space<hbm>>
    %dma_wait3A_20 = tpu.memref_slice %arg3[%mul3A_2] : memref<160256xi32, #tpu.memory_space<hbm>> -> memref<5008xi32, #tpu.memory_space<hbm>>
    tpu.wait_dma2 semaphore(%arg18 : memref<!tpu.dma_semaphore, #tpu.memory_space<semaphore_mem>>) src(%dma_wait3A_20 : memref<5008xi32, #tpu.memory_space<hbm>>) dst(%arg12 : memref<5008xi32, #tpu.memory_space<vmem>>)
    %dma_wait3A_21 = tpu.memref_slice %arg4[%mul3A_2] : memref<160256xf32, #tpu.memory_space<hbm>> -> memref<5008xf32, #tpu.memory_space<hbm>>
    %dma_wait3A_22 = tpu.memref_slice %arg4[%mul3A_2] : memref<160256xf32, #tpu.memory_space<hbm>> -> memref<5008xf32, #tpu.memory_space<hbm>>
    tpu.wait_dma2 semaphore(%arg18 : memref<!tpu.dma_semaphore, #tpu.memory_space<semaphore_mem>>) src(%dma_wait3A_22 : memref<5008xf32, #tpu.memory_space<hbm>>) dst(%arg13 : memref<5008xf32, #tpu.memory_space<vmem>>)
    %barrier3A = arith.constant 0 : index
    tpu.barrier barrier_id(%barrier3A)
    %dma_start3A_23 = arith.constant 0 : i32
    %dma_start3A_24 = arith.constant 0 : i32
    %dma_start3A_25 = tpu.memref_slice %arg5[%dma_start3A_23, %dma_start3A_24] : memref<10112x16xf32, #tpu.memory_space<hbm>> -> memref<10112x16xf32, #tpu.memory_space<hbm>>
    tpu.enqueue_indirect_dma source(%dma_start3A_25 : memref<10112x16xf32, #tpu.memory_space<hbm>>) target(%arg14 : memref<5008x16xf32, #tpu.memory_space<vmem>>) offsets(%arg12 : memref<5008xi32, #tpu.memory_space<vmem>>) semaphore(%arg18 : memref<!tpu.dma_semaphore, #tpu.memory_space<semaphore_mem>>)
    %dma_wait3A_26 = arith.constant 0 : i32
    %dma_wait3A_27 = arith.constant 0 : i32
    %dma_wait3A_28 = tpu.memref_slice %arg5[%dma_wait3A_26, %dma_wait3A_27] : memref<10112x16xf32, #tpu.memory_space<hbm>> -> memref<10112x16xf32, #tpu.memory_space<hbm>>
    tpu.wait_indirect_dma semaphore(%arg18 : memref<!tpu.dma_semaphore, #tpu.memory_space<semaphore_mem>>) src(%dma_wait3A_28 : memref<10112x16xf32, #tpu.memory_space<hbm>>) dst(%arg14 : memref<5008x16xf32, #tpu.memory_space<vmem>>)
    %scan3A_29 = arith.constant 0 : i32
    %scan3A_30 = arith.constant 0 : i32
    %scan3A_31 = arith.constant 313 : i32
    %scan3A_32 = arith.addi %scan3A_30, %scan3A_31 : i32
    %scan3A_33 = arith.constant 1 : i32
    %scan3A_34 = scf.for %scan3A_77 = %scan3A_30 to %scan3A_32 step %scan3A_33 iter_args(%scan3A_78 = %scan3A_29) -> (i32)  : i32 {
      %mul3A_79 = arith.constant 16 : i32
      %mul3A_80 = arith.muli %scan3A_77, %mul3A_79 : i32
      %get3A_81 = arith.index_cast %mul3A_80 : i32 to index
      %get3A_82 = tpu.vector_load %arg13[%get3A_81] {strides = array<i32>} : memref<5008xf32, #tpu.memory_space<vmem>>, vector<16xf32>,
      %get3A_83 = vector.shape_cast %get3A_82 : vector<16xf32> to vector<16xf32>
      %mul3A_84 = arith.constant 16 : i32
      %mul3A_85 = arith.muli %scan3A_77, %mul3A_84 : i32
      %add3A_86 = arith.constant 0 : i32
      %add3A_87 = arith.addi %mul3A_85, %add3A_86 : i32
      %get3A_88 = arith.index_cast %add3A_87 : i32 to index
      %get3A_89 = arith.constant 0 : index
      %get3A_90 = tpu.vector_load %arg14[%get3A_88, %get3A_89] {strides = array<i32>} : memref<5008x16xf32, #tpu.memory_space<vmem>>, vector<1x16xf32>,
      %get3A_91 = vector.shape_cast %get3A_90 : vector<1x16xf32> to vector<16xf32>
      %broadcast_in_dim3A = arith.constant 0 : i32
      %broadcast_in_dim3A_92 = vector.broadcast %broadcast_in_dim3A : i32 to vector<16x1xi32>
      %gather3A = vector.shape_cast %broadcast_in_dim3A_92 : vector<16x1xi32> to vector<16xi32>
      %gather3A_93 = tpu.dynamic_gather %get3A_83[%gather3A] in [0] : vector<16xf32>, vector<16xi32> -> vector<16xf32>
      %mul3A_94 = arith.mulf %get3A_91, %gather3A_93 : vector<16xf32>
      %swap3A = arith.index_cast %add3A_87 : i32 to index
      %swap3A_95 = arith.constant 0 : index
      %swap3A_96 = tpu.vector_load %arg14[%swap3A, %swap3A_95] {strides = array<i32>} : memref<5008x16xf32, #tpu.memory_space<vmem>>, vector<1x16xf32>,
      %swap3A_97 = vector.shape_cast %swap3A_96 : vector<1x16xf32> to vector<16xf32>
      %swap3A_98 = vector.shape_cast %mul3A_94 : vector<16xf32> to vector<1x16xf32>
      tpu.vector_store %arg14[%swap3A, %swap3A_95], %swap3A_98 {strides = array<i32>} : memref<5008x16xf32, #tpu.memory_space<vmem>>, vector<1x16xf32>,
      %mul3A_99 = arith.constant 16 : i32
      %mul3A_100 = arith.muli %scan3A_77, %mul3A_99 : i32
      %add3A_101 = arith.constant 1 : i32
      %add3A_102 = arith.addi %mul3A_100, %add3A_101 : i32
      %get3A_103 = arith.index_cast %add3A_102 : i32 to index
      %get3A_104 = arith.constant 0 : index
      %get3A_105 = tpu.vector_load %arg14[%get3A_103, %get3A_104] {strides = array<i32>} : memref<5008x16xf32, #tpu.memory_space<vmem>>, vector<1x16xf32>,
      %get3A_106 = vector.shape_cast %get3A_105 : vector<1x16xf32> to vector<16xf32>
      %broadcast_in_dim3A_107 = arith.constant 1 : i32
      %broadcast_in_dim3A_108 = vector.broadcast %broadcast_in_dim3A_107 : i32 to vector<16x1xi32>
      %gather3A_109 = vector.shape_cast %broadcast_in_dim3A_108 : vector<16x1xi32> to vector<16xi32>
      %gather3A_110 = tpu.dynamic_gather %get3A_83[%gather3A_109] in [0] : vector<16xf32>, vector<16xi32> -> vector<16xf32>
      %mul3A_111 = arith.mulf %get3A_106, %gather3A_110 : vector<16xf32>
      %swap3A_112 = arith.index_cast %add3A_102 : i32 to index
      %swap3A_113 = arith.constant 0 : index
      %swap3A_114 = tpu.vector_load %arg14[%swap3A_112, %swap3A_113] {strides = array<i32>} : memref<5008x16xf32, #tpu.memory_space<vmem>>, vector<1x16xf32>,
      %swap3A_115 = vector.shape_cast %swap3A_114 : vector<1x16xf32> to vector<16xf32>
      %swap3A_116 = vector.shape_cast %mul3A_111 : vector<16xf32> to vector<1x16xf32>
      tpu.vector_store %arg14[%swap3A_112, %swap3A_113], %swap3A_116 {strides = array<i32>} : memref<5008x16xf32, #tpu.memory_space<vmem>>, vector<1x16xf32>,
      %mul3A_117 = arith.constant 16 : i32
      %mul3A_118 = arith.muli %scan3A_77, %mul3A_117 : i32
      %add3A_119 = arith.constant 2 : i32
      %add3A_120 = arith.addi %mul3A_118, %add3A_119 : i32
      %get3A_121 = arith.index_cast %add3A_120 : i32 to index
      %get3A_122 = arith.constant 0 : index
      %get3A_123 = tpu.vector_load %arg14[%get3A_121, %get3A_122] {strides = array<i32>} : memref<5008x16xf32, #tpu.memory_space<vmem>>, vector<1x16xf32>,
      %get3A_124 = vector.shape_cast %get3A_123 : vector<1x16xf32> to vector<16xf32>
      %broadcast_in_dim3A_125 = arith.constant 2 : i32
      %broadcast_in_dim3A_126 = vector.broadcast %broadcast_in_dim3A_125 : i32 to vector<16x1xi32>
      %gather3A_127 = vector.shape_cast %broadcast_in_dim3A_126 : vector<16x1xi32> to vector<16xi32>
      %gather3A_128 = tpu.dynamic_gather %get3A_83[%gather3A_127] in [0] : vector<16xf32>, vector<16xi32> -> vector<16xf32>
      %mul3A_129 = arith.mulf %get3A_124, %gather3A_128 : vector<16xf32>
      %swap3A_130 = arith.index_cast %add3A_120 : i32 to index
      %swap3A_131 = arith.constant 0 : index
      %swap3A_132 = tpu.vector_load %arg14[%swap3A_130, %swap3A_131] {strides = array<i32>} : memref<5008x16xf32, #tpu.memory_space<vmem>>, vector<1x16xf32>,
      %swap3A_133 = vector.shape_cast %swap3A_132 : vector<1x16xf32> to vector<16xf32>
      %swap3A_134 = vector.shape_cast %mul3A_129 : vector<16xf32> to vector<1x16xf32>
      tpu.vector_store %arg14[%swap3A_130, %swap3A_131], %swap3A_134 {strides = array<i32>} : memref<5008x16xf32, #tpu.memory_space<vmem>>, vector<1x16xf32>,
      %mul3A_135 = arith.constant 16 : i32
      %mul3A_136 = arith.muli %scan3A_77, %mul3A_135 : i32
      %add3A_137 = arith.constant 3 : i32
      %add3A_138 = arith.addi %mul3A_136, %add3A_137 : i32
      %get3A_139 = arith.index_cast %add3A_138 : i32 to index
      %get3A_140 = arith.constant 0 : index
      %get3A_141 = tpu.vector_load %arg14[%get3A_139, %get3A_140] {strides = array<i32>} : memref<5008x16xf32, #tpu.memory_space<vmem>>, vector<1x16xf32>,
      %get3A_142 = vector.shape_cast %get3A_141 : vector<1x16xf32> to vector<16xf32>
      %broadcast_in_dim3A_143 = arith.constant 3 : i32
      %broadcast_in_dim3A_144 = vector.broadcast %broadcast_in_dim3A_143 : i32 to vector<16x1xi32>
      %gather3A_145 = vector.shape_cast %broadcast_in_dim3A_144 : vector<16x1xi32> to vector<16xi32>
      %gather3A_146 = tpu.dynamic_gather %get3A_83[%gather3A_145] in [0] : vector<16xf32>, vector<16xi32> -> vector<16xf32>
      %mul3A_147 = arith.mulf %get3A_142, %gather3A_146 : vector<16xf32>
      %swap3A_148 = arith.index_cast %add3A_138 : i32 to index
      %swap3A_149 = arith.constant 0 : index
      %swap3A_150 = tpu.vector_load %arg14[%swap3A_148, %swap3A_149] {strides = array<i32>} : memref<5008x16xf32, #tpu.memory_space<vmem>>, vector<1x16xf32>,
      %swap3A_151 = vector.shape_cast %swap3A_150 : vector<1x16xf32> to vector<16xf32>
      %swap3A_152 = vector.shape_cast %mul3A_147 : vector<16xf32> to vector<1x16xf32>
      tpu.vector_store %arg14[%swap3A_148, %swap3A_149], %swap3A_152 {strides = array<i32>} : memref<5008x16xf32, #tpu.memory_space<vmem>>, vector<1x16xf32>,
      %mul3A_153 = arith.constant 16 : i32
      %mul3A_154 = arith.muli %scan3A_77, %mul3A_153 : i32
      %add3A_155 = arith.constant 4 : i32
      %add3A_156 = arith.addi %mul3A_154, %add3A_155 : i32
      %get3A_157 = arith.index_cast %add3A_156 : i32 to index
      %get3A_158 = arith.constant 0 : index
      %get3A_159 = tpu.vector_load %arg14[%get3A_157, %get3A_158] {strides = array<i32>} : memref<5008x16xf32, #tpu.memory_space<vmem>>, vector<1x16xf32>,
      %get3A_160 = vector.shape_cast %get3A_159 : vector<1x16xf32> to vector<16xf32>
      %broadcast_in_dim3A_161 = arith.constant 4 : i32
      %broadcast_in_dim3A_162 = vector.broadcast %broadcast_in_dim3A_161 : i32 to vector<16x1xi32>
      %gather3A_163 = vector.shape_cast %broadcast_in_dim3A_162 : vector<16x1xi32> to vector<16xi32>
      %gather3A_164 = tpu.dynamic_gather %get3A_83[%gather3A_163] in [0] : vector<16xf32>, vector<16xi32> -> vector<16xf32>
      %mul3A_165 = arith.mulf %get3A_160, %gather3A_164 : vector<16xf32>
      %swap3A_166 = arith.index_cast %add3A_156 : i32 to index
      %swap3A_167 = arith.constant 0 : index
      %swap3A_168 = tpu.vector_load %arg14[%swap3A_166, %swap3A_167] {strides = array<i32>} : memref<5008x16xf32, #tpu.memory_space<vmem>>, vector<1x16xf32>,
      %swap3A_169 = vector.shape_cast %swap3A_168 : vector<1x16xf32> to vector<16xf32>
      %swap3A_170 = vector.shape_cast %mul3A_165 : vector<16xf32> to vector<1x16xf32>
      tpu.vector_store %arg14[%swap3A_166, %swap3A_167], %swap3A_170 {strides = array<i32>} : memref<5008x16xf32, #tpu.memory_space<vmem>>, vector<1x16xf32>,
      %mul3A_171 = arith.constant 16 : i32
      %mul3A_172 = arith.muli %scan3A_77, %mul3A_171 : i32
      %add3A_173 = arith.constant 5 : i32
      %add3A_174 = arith.addi %mul3A_172, %add3A_173 : i32
      %get3A_175 = arith.index_cast %add3A_174 : i32 to index
      %get3A_176 = arith.constant 0 : index
      %get3A_177 = tpu.vector_load %arg14[%get3A_175, %get3A_176] {strides = array<i32>} : memref<5008x16xf32, #tpu.memory_space<vmem>>, vector<1x16xf32>,
      %get3A_178 = vector.shape_cast %get3A_177 : vector<1x16xf32> to vector<16xf32>
      %broadcast_in_dim3A_179 = arith.constant 5 : i32
      %broadcast_in_dim3A_180 = vector.broadcast %broadcast_in_dim3A_179 : i32 to vector<16x1xi32>
      %gather3A_181 = vector.shape_cast %broadcast_in_dim3A_180 : vector<16x1xi32> to vector<16xi32>
      %gather3A_182 = tpu.dynamic_gather %get3A_83[%gather3A_181] in [0] : vector<16xf32>, vector<16xi32> -> vector<16xf32>
      %mul3A_183 = arith.mulf %get3A_178, %gather3A_182 : vector<16xf32>
      %swap3A_184 = arith.index_cast %add3A_174 : i32 to index
      %swap3A_185 = arith.constant 0 : index
      %swap3A_186 = tpu.vector_load %arg14[%swap3A_184, %swap3A_185] {strides = array<i32>} : memref<5008x16xf32, #tpu.memory_space<vmem>>, vector<1x16xf32>,
      %swap3A_187 = vector.shape_cast %swap3A_186 : vector<1x16xf32> to vector<16xf32>
      %swap3A_188 = vector.shape_cast %mul3A_183 : vector<16xf32> to vector<1x16xf32>
      tpu.vector_store %arg14[%swap3A_184, %swap3A_185], %swap3A_188 {strides = array<i32>} : memref<5008x16xf32, #tpu.memory_space<vmem>>, vector<1x16xf32>,
      %mul3A_189 = arith.constant 16 : i32
      %mul3A_190 = arith.muli %scan3A_77, %mul3A_189 : i32
      %add3A_191 = arith.constant 6 : i32
      %add3A_192 = arith.addi %mul3A_190, %add3A_191 : i32
      %get3A_193 = arith.index_cast %add3A_192 : i32 to index
      %get3A_194 = arith.constant 0 : index
      %get3A_195 = tpu.vector_load %arg14[%get3A_193, %get3A_194] {strides = array<i32>} : memref<5008x16xf32, #tpu.memory_space<vmem>>, vector<1x16xf32>,
      %get3A_196 = vector.shape_cast %get3A_195 : vector<1x16xf32> to vector<16xf32>
      %broadcast_in_dim3A_197 = arith.constant 6 : i32
      %broadcast_in_dim3A_198 = vector.broadcast %broadcast_in_dim3A_197 : i32 to vector<16x1xi32>
      %gather3A_199 = vector.shape_cast %broadcast_in_dim3A_198 : vector<16x1xi32> to vector<16xi32>
      %gather3A_200 = tpu.dynamic_gather %get3A_83[%gather3A_199] in [0] : vector<16xf32>, vector<16xi32> -> vector<16xf32>
      %mul3A_201 = arith.mulf %get3A_196, %gather3A_200 : vector<16xf32>
      %swap3A_202 = arith.index_cast %add3A_192 : i32 to index
      %swap3A_203 = arith.constant 0 : index
      %swap3A_204 = tpu.vector_load %arg14[%swap3A_202, %swap3A_203] {strides = array<i32>} : memref<5008x16xf32, #tpu.memory_space<vmem>>, vector<1x16xf32>,
      %swap3A_205 = vector.shape_cast %swap3A_204 : vector<1x16xf32> to vector<16xf32>
      %swap3A_206 = vector.shape_cast %mul3A_201 : vector<16xf32> to vector<1x16xf32>
      tpu.vector_store %arg14[%swap3A_202, %swap3A_203], %swap3A_206 {strides = array<i32>} : memref<5008x16xf32, #tpu.memory_space<vmem>>, vector<1x16xf32>,
      %mul3A_207 = arith.constant 16 : i32
      %mul3A_208 = arith.muli %scan3A_77, %mul3A_207 : i32
      %add3A_209 = arith.constant 7 : i32
      %add3A_210 = arith.addi %mul3A_208, %add3A_209 : i32
      %get3A_211 = arith.index_cast %add3A_210 : i32 to index
      %get3A_212 = arith.constant 0 : index
      %get3A_213 = tpu.vector_load %arg14[%get3A_211, %get3A_212] {strides = array<i32>} : memref<5008x16xf32, #tpu.memory_space<vmem>>, vector<1x16xf32>,
      %get3A_214 = vector.shape_cast %get3A_213 : vector<1x16xf32> to vector<16xf32>
      %broadcast_in_dim3A_215 = arith.constant 7 : i32
      %broadcast_in_dim3A_216 = vector.broadcast %broadcast_in_dim3A_215 : i32 to vector<16x1xi32>
      %gather3A_217 = vector.shape_cast %broadcast_in_dim3A_216 : vector<16x1xi32> to vector<16xi32>
      %gather3A_218 = tpu.dynamic_gather %get3A_83[%gather3A_217] in [0] : vector<16xf32>, vector<16xi32> -> vector<16xf32>
      %mul3A_219 = arith.mulf %get3A_214, %gather3A_218 : vector<16xf32>
      %swap3A_220 = arith.index_cast %add3A_210 : i32 to index
      %swap3A_221 = arith.constant 0 : index
      %swap3A_222 = tpu.vector_load %arg14[%swap3A_220, %swap3A_221] {strides = array<i32>} : memref<5008x16xf32, #tpu.memory_space<vmem>>, vector<1x16xf32>,
      %swap3A_223 = vector.shape_cast %swap3A_222 : vector<1x16xf32> to vector<16xf32>
      %swap3A_224 = vector.shape_cast %mul3A_219 : vector<16xf32> to vector<1x16xf32>
      tpu.vector_store %arg14[%swap3A_220, %swap3A_221], %swap3A_224 {strides = array<i32>} : memref<5008x16xf32, #tpu.memory_space<vmem>>, vector<1x16xf32>,
      %mul3A_225 = arith.constant 16 : i32
      %mul3A_226 = arith.muli %scan3A_77, %mul3A_225 : i32
      %add3A_227 = arith.constant 8 : i32
      %add3A_228 = arith.addi %mul3A_226, %add3A_227 : i32
      %get3A_229 = arith.index_cast %add3A_228 : i32 to index
      %get3A_230 = arith.constant 0 : index
      %get3A_231 = tpu.vector_load %arg14[%get3A_229, %get3A_230] {strides = array<i32>} : memref<5008x16xf32, #tpu.memory_space<vmem>>, vector<1x16xf32>,
      %get3A_232 = vector.shape_cast %get3A_231 : vector<1x16xf32> to vector<16xf32>
      %broadcast_in_dim3A_233 = arith.constant 8 : i32
      %broadcast_in_dim3A_234 = vector.broadcast %broadcast_in_dim3A_233 : i32 to vector<16x1xi32>
      %gather3A_235 = vector.shape_cast %broadcast_in_dim3A_234 : vector<16x1xi32> to vector<16xi32>
      %gather3A_236 = tpu.dynamic_gather %get3A_83[%gather3A_235] in [0] : vector<16xf32>, vector<16xi32> -> vector<16xf32>
      %mul3A_237 = arith.mulf %get3A_232, %gather3A_236 : vector<16xf32>
      %swap3A_238 = arith.index_cast %add3A_228 : i32 to index
      %swap3A_239 = arith.constant 0 : index
      %swap3A_240 = tpu.vector_load %arg14[%swap3A_238, %swap3A_239] {strides = array<i32>} : memref<5008x16xf32, #tpu.memory_space<vmem>>, vector<1x16xf32>,
      %swap3A_241 = vector.shape_cast %swap3A_240 : vector<1x16xf32> to vector<16xf32>
      %swap3A_242 = vector.shape_cast %mul3A_237 : vector<16xf32> to vector<1x16xf32>
      tpu.vector_store %arg14[%swap3A_238, %swap3A_239], %swap3A_242 {strides = array<i32>} : memref<5008x16xf32, #tpu.memory_space<vmem>>, vector<1x16xf32>,
      %mul3A_243 = arith.constant 16 : i32
      %mul3A_244 = arith.muli %scan3A_77, %mul3A_243 : i32
      %add3A_245 = arith.constant 9 : i32
      %add3A_246 = arith.addi %mul3A_244, %add3A_245 : i32
      %get3A_247 = arith.index_cast %add3A_246 : i32 to index
      %get3A_248 = arith.constant 0 : index
      %get3A_249 = tpu.vector_load %arg14[%get3A_247, %get3A_248] {strides = array<i32>} : memref<5008x16xf32, #tpu.memory_space<vmem>>, vector<1x16xf32>,
      %get3A_250 = vector.shape_cast %get3A_249 : vector<1x16xf32> to vector<16xf32>
      %broadcast_in_dim3A_251 = arith.constant 9 : i32
      %broadcast_in_dim3A_252 = vector.broadcast %broadcast_in_dim3A_251 : i32 to vector<16x1xi32>
      %gather3A_253 = vector.shape_cast %broadcast_in_dim3A_252 : vector<16x1xi32> to vector<16xi32>
      %gather3A_254 = tpu.dynamic_gather %get3A_83[%gather3A_253] in [0] : vector<16xf32>, vector<16xi32> -> vector<16xf32>
      %mul3A_255 = arith.mulf %get3A_250, %gather3A_254 : vector<16xf32>
      %swap3A_256 = arith.index_cast %add3A_246 : i32 to index
      %swap3A_257 = arith.constant 0 : index
      %swap3A_258 = tpu.vector_load %arg14[%swap3A_256, %swap3A_257] {strides = array<i32>} : memref<5008x16xf32, #tpu.memory_space<vmem>>, vector<1x16xf32>,
      %swap3A_259 = vector.shape_cast %swap3A_258 : vector<1x16xf32> to vector<16xf32>
      %swap3A_260 = vector.shape_cast %mul3A_255 : vector<16xf32> to vector<1x16xf32>
      tpu.vector_store %arg14[%swap3A_256, %swap3A_257], %swap3A_260 {strides = array<i32>} : memref<5008x16xf32, #tpu.memory_space<vmem>>, vector<1x16xf32>,
      %mul3A_261 = arith.constant 16 : i32
      %mul3A_262 = arith.muli %scan3A_77, %mul3A_261 : i32
      %add3A_263 = arith.constant 10 : i32
      %add3A_264 = arith.addi %mul3A_262, %add3A_263 : i32
      %get3A_265 = arith.index_cast %add3A_264 : i32 to index
      %get3A_266 = arith.constant 0 : index
      %get3A_267 = tpu.vector_load %arg14[%get3A_265, %get3A_266] {strides = array<i32>} : memref<5008x16xf32, #tpu.memory_space<vmem>>, vector<1x16xf32>,
      %get3A_268 = vector.shape_cast %get3A_267 : vector<1x16xf32> to vector<16xf32>
      %broadcast_in_dim3A_269 = arith.constant 10 : i32
      %broadcast_in_dim3A_270 = vector.broadcast %broadcast_in_dim3A_269 : i32 to vector<16x1xi32>
      %gather3A_271 = vector.shape_cast %broadcast_in_dim3A_270 : vector<16x1xi32> to vector<16xi32>
      %gather3A_272 = tpu.dynamic_gather %get3A_83[%gather3A_271] in [0] : vector<16xf32>, vector<16xi32> -> vector<16xf32>
      %mul3A_273 = arith.mulf %get3A_268, %gather3A_272 : vector<16xf32>
      %swap3A_274 = arith.index_cast %add3A_264 : i32 to index
      %swap3A_275 = arith.constant 0 : index
      %swap3A_276 = tpu.vector_load %arg14[%swap3A_274, %swap3A_275] {strides = array<i32>} : memref<5008x16xf32, #tpu.memory_space<vmem>>, vector<1x16xf32>,
      %swap3A_277 = vector.shape_cast %swap3A_276 : vector<1x16xf32> to vector<16xf32>
      %swap3A_278 = vector.shape_cast %mul3A_273 : vector<16xf32> to vector<1x16xf32>
      tpu.vector_store %arg14[%swap3A_274, %swap3A_275], %swap3A_278 {strides = array<i32>} : memref<5008x16xf32, #tpu.memory_space<vmem>>, vector<1x16xf32>,
      %mul3A_279 = arith.constant 16 : i32
      %mul3A_280 = arith.muli %scan3A_77, %mul3A_279 : i32
      %add3A_281 = arith.constant 11 : i32
      %add3A_282 = arith.addi %mul3A_280, %add3A_281 : i32
      %get3A_283 = arith.index_cast %add3A_282 : i32 to index
      %get3A_284 = arith.constant 0 : index
      %get3A_285 = tpu.vector_load %arg14[%get3A_283, %get3A_284] {strides = array<i32>} : memref<5008x16xf32, #tpu.memory_space<vmem>>, vector<1x16xf32>,
      %get3A_286 = vector.shape_cast %get3A_285 : vector<1x16xf32> to vector<16xf32>
      %broadcast_in_dim3A_287 = arith.constant 11 : i32
      %broadcast_in_dim3A_288 = vector.broadcast %broadcast_in_dim3A_287 : i32 to vector<16x1xi32>
      %gather3A_289 = vector.shape_cast %broadcast_in_dim3A_288 : vector<16x1xi32> to vector<16xi32>
      %gather3A_290 = tpu.dynamic_gather %get3A_83[%gather3A_289] in [0] : vector<16xf32>, vector<16xi32> -> vector<16xf32>
      %mul3A_291 = arith.mulf %get3A_286, %gather3A_290 : vector<16xf32>
      %swap3A_292 = arith.index_cast %add3A_282 : i32 to index
      %swap3A_293 = arith.constant 0 : index
      %swap3A_294 = tpu.vector_load %arg14[%swap3A_292, %swap3A_293] {strides = array<i32>} : memref<5008x16xf32, #tpu.memory_space<vmem>>, vector<1x16xf32>,
      %swap3A_295 = vector.shape_cast %swap3A_294 : vector<1x16xf32> to vector<16xf32>
      %swap3A_296 = vector.shape_cast %mul3A_291 : vector<16xf32> to vector<1x16xf32>
      tpu.vector_store %arg14[%swap3A_292, %swap3A_293], %swap3A_296 {strides = array<i32>} : memref<5008x16xf32, #tpu.memory_space<vmem>>, vector<1x16xf32>,
      %mul3A_297 = arith.constant 16 : i32
      %mul3A_298 = arith.muli %scan3A_77, %mul3A_297 : i32
      %add3A_299 = arith.constant 12 : i32
      %add3A_300 = arith.addi %mul3A_298, %add3A_299 : i32
      %get3A_301 = arith.index_cast %add3A_300 : i32 to index
      %get3A_302 = arith.constant 0 : index
      %get3A_303 = tpu.vector_load %arg14[%get3A_301, %get3A_302] {strides = array<i32>} : memref<5008x16xf32, #tpu.memory_space<vmem>>, vector<1x16xf32>,
      %get3A_304 = vector.shape_cast %get3A_303 : vector<1x16xf32> to vector<16xf32>
      %broadcast_in_dim3A_305 = arith.constant 12 : i32
      %broadcast_in_dim3A_306 = vector.broadcast %broadcast_in_dim3A_305 : i32 to vector<16x1xi32>
      %gather3A_307 = vector.shape_cast %broadcast_in_dim3A_306 : vector<16x1xi32> to vector<16xi32>
      %gather3A_308 = tpu.dynamic_gather %get3A_83[%gather3A_307] in [0] : vector<16xf32>, vector<16xi32> -> vector<16xf32>
      %mul3A_309 = arith.mulf %get3A_304, %gather3A_308 : vector<16xf32>
      %swap3A_310 = arith.index_cast %add3A_300 : i32 to index
      %swap3A_311 = arith.constant 0 : index
      %swap3A_312 = tpu.vector_load %arg14[%swap3A_310, %swap3A_311] {strides = array<i32>} : memref<5008x16xf32, #tpu.memory_space<vmem>>, vector<1x16xf32>,
      %swap3A_313 = vector.shape_cast %swap3A_312 : vector<1x16xf32> to vector<16xf32>
      %swap3A_314 = vector.shape_cast %mul3A_309 : vector<16xf32> to vector<1x16xf32>
      tpu.vector_store %arg14[%swap3A_310, %swap3A_311], %swap3A_314 {strides = array<i32>} : memref<5008x16xf32, #tpu.memory_space<vmem>>, vector<1x16xf32>,
      %mul3A_315 = arith.constant 16 : i32
      %mul3A_316 = arith.muli %scan3A_77, %mul3A_315 : i32
      %add3A_317 = arith.constant 13 : i32
      %add3A_318 = arith.addi %mul3A_316, %add3A_317 : i32
      %get3A_319 = arith.index_cast %add3A_318 : i32 to index
      %get3A_320 = arith.constant 0 : index
      %get3A_321 = tpu.vector_load %arg14[%get3A_319, %get3A_320] {strides = array<i32>} : memref<5008x16xf32, #tpu.memory_space<vmem>>, vector<1x16xf32>,
      %get3A_322 = vector.shape_cast %get3A_321 : vector<1x16xf32> to vector<16xf32>
      %broadcast_in_dim3A_323 = arith.constant 13 : i32
      %broadcast_in_dim3A_324 = vector.broadcast %broadcast_in_dim3A_323 : i32 to vector<16x1xi32>
      %gather3A_325 = vector.shape_cast %broadcast_in_dim3A_324 : vector<16x1xi32> to vector<16xi32>
      %gather3A_326 = tpu.dynamic_gather %get3A_83[%gather3A_325] in [0] : vector<16xf32>, vector<16xi32> -> vector<16xf32>
      %mul3A_327 = arith.mulf %get3A_322, %gather3A_326 : vector<16xf32>
      %swap3A_328 = arith.index_cast %add3A_318 : i32 to index
      %swap3A_329 = arith.constant 0 : index
      %swap3A_330 = tpu.vector_load %arg14[%swap3A_328, %swap3A_329] {strides = array<i32>} : memref<5008x16xf32, #tpu.memory_space<vmem>>, vector<1x16xf32>,
      %swap3A_331 = vector.shape_cast %swap3A_330 : vector<1x16xf32> to vector<16xf32>
      %swap3A_332 = vector.shape_cast %mul3A_327 : vector<16xf32> to vector<1x16xf32>
      tpu.vector_store %arg14[%swap3A_328, %swap3A_329], %swap3A_332 {strides = array<i32>} : memref<5008x16xf32, #tpu.memory_space<vmem>>, vector<1x16xf32>,
      %mul3A_333 = arith.constant 16 : i32
      %mul3A_334 = arith.muli %scan3A_77, %mul3A_333 : i32
      %add3A_335 = arith.constant 14 : i32
      %add3A_336 = arith.addi %mul3A_334, %add3A_335 : i32
      %get3A_337 = arith.index_cast %add3A_336 : i32 to index
      %get3A_338 = arith.constant 0 : index
      %get3A_339 = tpu.vector_load %arg14[%get3A_337, %get3A_338] {strides = array<i32>} : memref<5008x16xf32, #tpu.memory_space<vmem>>, vector<1x16xf32>,
      %get3A_340 = vector.shape_cast %get3A_339 : vector<1x16xf32> to vector<16xf32>
      %broadcast_in_dim3A_341 = arith.constant 14 : i32
      %broadcast_in_dim3A_342 = vector.broadcast %broadcast_in_dim3A_341 : i32 to vector<16x1xi32>
      %gather3A_343 = vector.shape_cast %broadcast_in_dim3A_342 : vector<16x1xi32> to vector<16xi32>
      %gather3A_344 = tpu.dynamic_gather %get3A_83[%gather3A_343] in [0] : vector<16xf32>, vector<16xi32> -> vector<16xf32>
      %mul3A_345 = arith.mulf %get3A_340, %gather3A_344 : vector<16xf32>
      %swap3A_346 = arith.index_cast %add3A_336 : i32 to index
      %swap3A_347 = arith.constant 0 : index
      %swap3A_348 = tpu.vector_load %arg14[%swap3A_346, %swap3A_347] {strides = array<i32>} : memref<5008x16xf32, #tpu.memory_space<vmem>>, vector<1x16xf32>,
      %swap3A_349 = vector.shape_cast %swap3A_348 : vector<1x16xf32> to vector<16xf32>
      %swap3A_350 = vector.shape_cast %mul3A_345 : vector<16xf32> to vector<1x16xf32>
      tpu.vector_store %arg14[%swap3A_346, %swap3A_347], %swap3A_350 {strides = array<i32>} : memref<5008x16xf32, #tpu.memory_space<vmem>>, vector<1x16xf32>,
      %mul3A_351 = arith.constant 16 : i32
      %mul3A_352 = arith.muli %scan3A_77, %mul3A_351 : i32
      %add3A_353 = arith.constant 15 : i32
      %add3A_354 = arith.addi %mul3A_352, %add3A_353 : i32
      %get3A_355 = arith.index_cast %add3A_354 : i32 to index
      %get3A_356 = arith.constant 0 : index
      %get3A_357 = tpu.vector_load %arg14[%get3A_355, %get3A_356] {strides = array<i32>} : memref<5008x16xf32, #tpu.memory_space<vmem>>, vector<1x16xf32>,
      %get3A_358 = vector.shape_cast %get3A_357 : vector<1x16xf32> to vector<16xf32>
      %broadcast_in_dim3A_359 = arith.constant 15 : i32
      %broadcast_in_dim3A_360 = vector.broadcast %broadcast_in_dim3A_359 : i32 to vector<16x1xi32>
      %gather3A_361 = vector.shape_cast %broadcast_in_dim3A_360 : vector<16x1xi32> to vector<16xi32>
      %gather3A_362 = tpu.dynamic_gather %get3A_83[%gather3A_361] in [0] : vector<16xf32>, vector<16xi32> -> vector<16xf32>
      %mul3A_363 = arith.mulf %get3A_358, %gather3A_362 : vector<16xf32>
      %swap3A_364 = arith.index_cast %add3A_354 : i32 to index
      %swap3A_365 = arith.constant 0 : index
      %swap3A_366 = tpu.vector_load %arg14[%swap3A_364, %swap3A_365] {strides = array<i32>} : memref<5008x16xf32, #tpu.memory_space<vmem>>, vector<1x16xf32>,
      %swap3A_367 = vector.shape_cast %swap3A_366 : vector<1x16xf32> to vector<16xf32>
      %swap3A_368 = vector.shape_cast %mul3A_363 : vector<16xf32> to vector<1x16xf32>
      tpu.vector_store %arg14[%swap3A_364, %swap3A_365], %swap3A_368 {strides = array<i32>} : memref<5008x16xf32, #tpu.memory_space<vmem>>, vector<1x16xf32>,
      %scan3A_369 = arith.constant 0 : i32
      scf.yield %scan3A_369 : i32
    }
    %scan3A_35 = arith.constant 313 : i32
    "tpu.region"() ({
      %run_scoped3A = tpu.sem_alloc : memref<!tpu.dma_semaphore, #tpu.memory_space<semaphore_mem>>
      %dma_start3A_77 = arith.constant 0 : i32
      %dma_start3A_78 = arith.constant 0 : i32
      %dma_start3A_79 = tpu.memref_slice %arg17[%dma_start3A_77, %dma_start3A_78] : memref<10112x16xf32, #tpu.memory_space<vmem_shared>> -> memref<10112x16xf32, #tpu.memory_space<vmem_shared>>
      tpu.enqueue_indirect_dma source(%arg14 : memref<5008x16xf32, #tpu.memory_space<vmem>>) target(%dma_start3A_79 : memref<10112x16xf32, #tpu.memory_space<vmem_shared>>) offsets(%arg11 : memref<5008xi32, #tpu.memory_space<vmem>>) semaphore(%run_scoped3A : memref<!tpu.dma_semaphore, #tpu.memory_space<semaphore_mem>>) {add = true}
      %dma_wait3A_80 = arith.constant 0 : i32
      %dma_wait3A_81 = arith.constant 0 : i32
      %dma_wait3A_82 = tpu.memref_slice %arg17[%dma_wait3A_80, %dma_wait3A_81] : memref<10112x16xf32, #tpu.memory_space<vmem_shared>> -> memref<10112x16xf32, #tpu.memory_space<vmem_shared>>
      tpu.wait_indirect_dma semaphore(%run_scoped3A : memref<!tpu.dma_semaphore, #tpu.memory_space<semaphore_mem>>) src(%arg14 : memref<5008x16xf32, #tpu.memory_space<vmem>>) dst(%dma_wait3A_82 : memref<10112x16xf32, #tpu.memory_space<vmem_shared>>)
      tpu.yield
    }) : () -> ()
    %barrier3A_36 = arith.constant 0 : index
    tpu.barrier barrier_id(%barrier3A_36)
    %eq3A = arith.constant 0 : i32
    %eq3A_37 = arith.cmpi eq, %arg0, %eq3A : i32
    %convert_element_type3A = arith.extui %eq3A_37 : i1 to i32
    %cond3A = arith.constant 0 : i32
    %cond3A_38 = arith.cmpi ne, %convert_element_type3A, %cond3A : i32
    scf.if %cond3A_38 {
      "tpu.region"() ({
        %run_scoped3A = tpu.sem_alloc : memref<!tpu.dma_semaphore, #tpu.memory_space<semaphore_mem>>
        %dma_start3A_77 = arith.constant 0 : i32
        %dma_start3A_78 = tpu.memref_slice %arg9[%mul3A_4, %dma_start3A_77] : memref<10112x16xf32, #tpu.memory_space<hbm>> -> memref<632x16xf32, #tpu.memory_space<hbm>>
        %dma_start3A_79 = arith.constant 0 : i32
        %dma_start3A_80 = tpu.memref_slice %arg17[%mul3A_4, %dma_start3A_79] : memref<10112x16xf32, #tpu.memory_space<vmem_shared>> -> memref<632x16xf32, #tpu.memory_space<vmem_shared>>
        tpu.enqueue_dma source(%dma_start3A_80 : memref<632x16xf32, #tpu.memory_space<vmem_shared>>) target(%dma_start3A_78 : memref<632x16xf32, #tpu.memory_space<hbm>>) target_semaphore(%run_scoped3A : memref<!tpu.dma_semaphore, #tpu.memory_space<semaphore_mem>>)
        %dma_wait3A_81 = arith.constant 0 : i32
        %dma_wait3A_82 = tpu.memref_slice %arg9[%mul3A_4, %dma_wait3A_81] : memref<10112x16xf32, #tpu.memory_space<hbm>> -> memref<632x16xf32, #tpu.memory_space<hbm>>
        %dma_wait3A_83 = arith.constant 0 : i32
        %dma_wait3A_84 = tpu.memref_slice %arg17[%mul3A_4, %dma_wait3A_83] : memref<10112x16xf32, #tpu.memory_space<vmem_shared>> -> memref<632x16xf32, #tpu.memory_space<vmem_shared>>
        tpu.wait_dma2 semaphore(%run_scoped3A : memref<!tpu.dma_semaphore, #tpu.memory_space<semaphore_mem>>) src(%dma_wait3A_84 : memref<632x16xf32, #tpu.memory_space<vmem_shared>>) dst(%dma_wait3A_82 : memref<632x16xf32, #tpu.memory_space<hbm>>)
        tpu.yield
      }) : () -> ()
    } else {
    }
    %eq3A_39 = arith.constant 1 : i32
    %eq3A_40 = arith.cmpi eq, %arg0, %eq3A_39 : i32
    %convert_element_type3A_41 = arith.extui %eq3A_40 : i1 to i32
    %cond3A_42 = arith.constant 0 : i32
    %cond3A_43 = arith.cmpi ne, %convert_element_type3A_41, %cond3A_42 : i32
    scf.if %cond3A_43 {
      "tpu.region"() ({
        %run_scoped3A = tpu.sem_alloc : memref<!tpu.dma_semaphore, #tpu.memory_space<semaphore_mem>>
        %dma_start3A_77 = arith.constant 0 : i32
        %dma_start3A_78 = tpu.memref_slice %arg10[%mul3A_4, %dma_start3A_77] : memref<10112x16xf32, #tpu.memory_space<hbm>> -> memref<632x16xf32, #tpu.memory_space<hbm>>
        %dma_start3A_79 = arith.constant 0 : i32
        %dma_start3A_80 = tpu.memref_slice %arg17[%mul3A_4, %dma_start3A_79] : memref<10112x16xf32, #tpu.memory_space<vmem_shared>> -> memref<632x16xf32, #tpu.memory_space<vmem_shared>>
        tpu.enqueue_dma source(%dma_start3A_80 : memref<632x16xf32, #tpu.memory_space<vmem_shared>>) target(%dma_start3A_78 : memref<632x16xf32, #tpu.memory_space<hbm>>) target_semaphore(%run_scoped3A : memref<!tpu.dma_semaphore, #tpu.memory_space<semaphore_mem>>)
        %dma_wait3A_81 = arith.constant 0 : i32
        %dma_wait3A_82 = tpu.memref_slice %arg10[%mul3A_4, %dma_wait3A_81] : memref<10112x16xf32, #tpu.memory_space<hbm>> -> memref<632x16xf32, #tpu.memory_space<hbm>>
        %dma_wait3A_83 = arith.constant 0 : i32
        %dma_wait3A_84 = tpu.memref_slice %arg17[%mul3A_4, %dma_wait3A_83] : memref<10112x16xf32, #tpu.memory_space<vmem_shared>> -> memref<632x16xf32, #tpu.memory_space<vmem_shared>>
        tpu.wait_dma2 semaphore(%run_scoped3A : memref<!tpu.dma_semaphore, #tpu.memory_space<semaphore_mem>>) src(%dma_wait3A_84 : memref<632x16xf32, #tpu.memory_space<vmem_shared>>) dst(%dma_wait3A_82 : memref<632x16xf32, #tpu.memory_space<hbm>>)
        tpu.yield
      }) : () -> ()
    } else {
    }
    "tpu.region"() ({
      %run_scoped3A = tpu.sem_alloc : memref<!tpu.dma_semaphore, #tpu.memory_space<semaphore_mem>>
      %dma_start3A_77 = arith.constant 0 : i32
      %dma_start3A_78 = tpu.memref_slice %arg17[%mul3A_4, %dma_start3A_77] : memref<10112x16xf32, #tpu.memory_space<vmem_shared>> -> memref<632x16xf32, #tpu.memory_space<vmem_shared>>
      %dma_start3A_79 = arith.constant 0 : i32
      %dma_start3A_80 = tpu.memref_slice %arg17[%mul3A_4, %dma_start3A_79] : memref<10112x16xf32, #tpu.memory_space<vmem_shared>> -> memref<632x16xf32, #tpu.memory_space<vmem_shared>>
      tpu.enqueue_dma source(%arg15 : memref<632x16xf32, #tpu.memory_space<vmem>>) target(%dma_start3A_80 : memref<632x16xf32, #tpu.memory_space<vmem_shared>>) target_semaphore(%run_scoped3A : memref<!tpu.dma_semaphore, #tpu.memory_space<semaphore_mem>>)
      %dma_wait3A_81 = arith.constant 0 : i32
      %dma_wait3A_82 = tpu.memref_slice %arg17[%mul3A_4, %dma_wait3A_81] : memref<10112x16xf32, #tpu.memory_space<vmem_shared>> -> memref<632x16xf32, #tpu.memory_space<vmem_shared>>
      %dma_wait3A_83 = arith.constant 0 : i32
      %dma_wait3A_84 = tpu.memref_slice %arg17[%mul3A_4, %dma_wait3A_83] : memref<10112x16xf32, #tpu.memory_space<vmem_shared>> -> memref<632x16xf32, #tpu.memory_space<vmem_shared>>
      tpu.wait_dma2 semaphore(%run_scoped3A : memref<!tpu.dma_semaphore, #tpu.memory_space<semaphore_mem>>) src(%arg15 : memref<632x16xf32, #tpu.memory_space<vmem>>) dst(%dma_wait3A_84 : memref<632x16xf32, #tpu.memory_space<vmem_shared>>)
      tpu.yield
    }) : () -> ()
    %barrier3A_44 = arith.constant 0 : index
    tpu.barrier barrier_id(%barrier3A_44)
    %sub3A = arith.constant 1 : i32
    %sub3A_45 = arith.subi %sub3A, %arg0 : i32
    %semaphore_signal3A = arith.constant 1 : i32
    tpu.sem_signal %arg19, %semaphore_signal3A core_id %sub3A_45 : memref<!tpu.semaphore, #tpu.memory_space<semaphore_mem>>
    %semaphore_wait3A = arith.constant 1 : i32
    %semaphore_wait3A_46 = arith.constant true
    tpu.sem_wait %arg19, %semaphore_wait3A : memref<!tpu.semaphore, #tpu.memory_space<semaphore_mem>>
    %dma_start3A_47 = arith.constant 0 : i32
    %dma_start3A_48 = arith.constant 0 : i32
    %dma_start3A_49 = tpu.memref_slice %arg9[%dma_start3A_47, %dma_start3A_48] : memref<10112x16xf32, #tpu.memory_space<hbm>> -> memref<10112x16xf32, #tpu.memory_space<hbm>>
    tpu.enqueue_indirect_dma source(%dma_start3A_49 : memref<10112x16xf32, #tpu.memory_space<hbm>>) target(%arg14 : memref<5008x16xf32, #tpu.memory_space<vmem>>) offsets(%arg12 : memref<5008xi32, #tpu.memory_space<vmem>>) semaphore(%arg18 : memref<!tpu.dma_semaphore, #tpu.memory_space<semaphore_mem>>)
    %dma_wait3A_50 = arith.constant 0 : i32
    %dma_wait3A_51 = arith.constant 0 : i32
    %dma_wait3A_52 = tpu.memref_slice %arg9[%dma_wait3A_50, %dma_wait3A_51] : memref<10112x16xf32, #tpu.memory_space<hbm>> -> memref<10112x16xf32, #tpu.memory_space<hbm>>
    tpu.wait_indirect_dma semaphore(%arg18 : memref<!tpu.dma_semaphore, #tpu.memory_space<semaphore_mem>>) src(%dma_wait3A_52 : memref<10112x16xf32, #tpu.memory_space<hbm>>) dst(%arg14 : memref<5008x16xf32, #tpu.memory_space<vmem>>)
    %dma_start3A_53 = arith.constant 0 : i32
    %dma_start3A_54 = arith.constant 0 : i32
    %dma_start3A_55 = tpu.memref_slice %arg10[%dma_start3A_53, %dma_start3A_54] : memref<10112x16xf32, #tpu.memory_space<hbm>> -> memref<10112x16xf32, #tpu.memory_space<hbm>>
    tpu.enqueue_indirect_dma source(%dma_start3A_55 : memref<10112x16xf32, #tpu.memory_space<hbm>>) target(%arg14 : memref<5008x16xf32, #tpu.memory_space<vmem>>) offsets(%arg12 : memref<5008xi32, #tpu.memory_space<vmem>>) semaphore(%arg18 : memref<!tpu.dma_semaphore, #tpu.memory_space<semaphore_mem>>) {add = true}
    %dma_wait3A_56 = arith.constant 0 : i32
    %dma_wait3A_57 = arith.constant 0 : i32
    %dma_wait3A_58 = tpu.memref_slice %arg10[%dma_wait3A_56, %dma_wait3A_57] : memref<10112x16xf32, #tpu.memory_space<hbm>> -> memref<10112x16xf32, #tpu.memory_space<hbm>>
    tpu.wait_indirect_dma semaphore(%arg18 : memref<!tpu.dma_semaphore, #tpu.memory_space<semaphore_mem>>) src(%dma_wait3A_58 : memref<10112x16xf32, #tpu.memory_space<hbm>>) dst(%arg14 : memref<5008x16xf32, #tpu.memory_space<vmem>>)
    %scan3A_59 = arith.constant 0 : i32
    %scan3A_60 = arith.constant 0 : i32
    %scan3A_61 = arith.constant 313 : i32
    %scan3A_62 = arith.addi %scan3A_60, %scan3A_61 : i32
    %scan3A_63 = arith.constant 1 : i32
    %scan3A_64 = scf.for %scan3A_77 = %scan3A_60 to %scan3A_62 step %scan3A_63 iter_args(%scan3A_78 = %scan3A_59) -> (i32)  : i32 {
      %mul3A_79 = arith.constant 16 : i32
      %mul3A_80 = arith.muli %scan3A_77, %mul3A_79 : i32
      %get3A_81 = arith.index_cast %mul3A_80 : i32 to index
      %get3A_82 = tpu.vector_load %arg13[%get3A_81] {strides = array<i32>} : memref<5008xf32, #tpu.memory_space<vmem>>, vector<16xf32>,
      %get3A_83 = vector.shape_cast %get3A_82 : vector<16xf32> to vector<16xf32>
      %mul3A_84 = arith.constant 16 : i32
      %mul3A_85 = arith.muli %scan3A_77, %mul3A_84 : i32
      %add3A_86 = arith.constant 0 : i32
      %add3A_87 = arith.addi %mul3A_85, %add3A_86 : i32
      %get3A_88 = arith.index_cast %add3A_87 : i32 to index
      %get3A_89 = arith.constant 0 : index
      %get3A_90 = tpu.vector_load %arg14[%get3A_88, %get3A_89] {strides = array<i32>} : memref<5008x16xf32, #tpu.memory_space<vmem>>, vector<1x16xf32>,
      %get3A_91 = vector.shape_cast %get3A_90 : vector<1x16xf32> to vector<16xf32>
      %add3A_92 = arith.addf %get3A_91, %get3A_17 : vector<16xf32>
      %max3A = arith.constant 0.000000e+00 : f32
      %max3A_93 = vector.broadcast %max3A : f32 to vector<16xf32>
      %max3A_94 = arith.maximumf %add3A_92, %max3A_93 : vector<16xf32>
      %broadcast_in_dim3A = arith.constant 0 : i32
      %broadcast_in_dim3A_95 = vector.broadcast %broadcast_in_dim3A : i32 to vector<16x1xi32>
      %gather3A = vector.shape_cast %broadcast_in_dim3A_95 : vector<16x1xi32> to vector<16xi32>
      %gather3A_96 = tpu.dynamic_gather %get3A_83[%gather3A] in [0] : vector<16xf32>, vector<16xi32> -> vector<16xf32>
      %mul3A_97 = arith.mulf %max3A_94, %gather3A_96 : vector<16xf32>
      %swap3A = arith.index_cast %add3A_87 : i32 to index
      %swap3A_98 = arith.constant 0 : index
      %swap3A_99 = tpu.vector_load %arg14[%swap3A, %swap3A_98] {strides = array<i32>} : memref<5008x16xf32, #tpu.memory_space<vmem>>, vector<1x16xf32>,
      %swap3A_100 = vector.shape_cast %swap3A_99 : vector<1x16xf32> to vector<16xf32>
      %swap3A_101 = vector.shape_cast %mul3A_97 : vector<16xf32> to vector<1x16xf32>
      tpu.vector_store %arg14[%swap3A, %swap3A_98], %swap3A_101 {strides = array<i32>} : memref<5008x16xf32, #tpu.memory_space<vmem>>, vector<1x16xf32>,
      %mul3A_102 = arith.constant 16 : i32
      %mul3A_103 = arith.muli %scan3A_77, %mul3A_102 : i32
      %add3A_104 = arith.constant 1 : i32
      %add3A_105 = arith.addi %mul3A_103, %add3A_104 : i32
      %get3A_106 = arith.index_cast %add3A_105 : i32 to index
      %get3A_107 = arith.constant 0 : index
      %get3A_108 = tpu.vector_load %arg14[%get3A_106, %get3A_107] {strides = array<i32>} : memref<5008x16xf32, #tpu.memory_space<vmem>>, vector<1x16xf32>,
      %get3A_109 = vector.shape_cast %get3A_108 : vector<1x16xf32> to vector<16xf32>
      %add3A_110 = arith.addf %get3A_109, %get3A_17 : vector<16xf32>
      %max3A_111 = arith.constant 0.000000e+00 : f32
      %max3A_112 = vector.broadcast %max3A_111 : f32 to vector<16xf32>
      %max3A_113 = arith.maximumf %add3A_110, %max3A_112 : vector<16xf32>
      %broadcast_in_dim3A_114 = arith.constant 1 : i32
      %broadcast_in_dim3A_115 = vector.broadcast %broadcast_in_dim3A_114 : i32 to vector<16x1xi32>
      %gather3A_116 = vector.shape_cast %broadcast_in_dim3A_115 : vector<16x1xi32> to vector<16xi32>
      %gather3A_117 = tpu.dynamic_gather %get3A_83[%gather3A_116] in [0] : vector<16xf32>, vector<16xi32> -> vector<16xf32>
      %mul3A_118 = arith.mulf %max3A_113, %gather3A_117 : vector<16xf32>
      %swap3A_119 = arith.index_cast %add3A_105 : i32 to index
      %swap3A_120 = arith.constant 0 : index
      %swap3A_121 = tpu.vector_load %arg14[%swap3A_119, %swap3A_120] {strides = array<i32>} : memref<5008x16xf32, #tpu.memory_space<vmem>>, vector<1x16xf32>,
      %swap3A_122 = vector.shape_cast %swap3A_121 : vector<1x16xf32> to vector<16xf32>
      %swap3A_123 = vector.shape_cast %mul3A_118 : vector<16xf32> to vector<1x16xf32>
      tpu.vector_store %arg14[%swap3A_119, %swap3A_120], %swap3A_123 {strides = array<i32>} : memref<5008x16xf32, #tpu.memory_space<vmem>>, vector<1x16xf32>,
      %mul3A_124 = arith.constant 16 : i32
      %mul3A_125 = arith.muli %scan3A_77, %mul3A_124 : i32
      %add3A_126 = arith.constant 2 : i32
      %add3A_127 = arith.addi %mul3A_125, %add3A_126 : i32
      %get3A_128 = arith.index_cast %add3A_127 : i32 to index
      %get3A_129 = arith.constant 0 : index
      %get3A_130 = tpu.vector_load %arg14[%get3A_128, %get3A_129] {strides = array<i32>} : memref<5008x16xf32, #tpu.memory_space<vmem>>, vector<1x16xf32>,
      %get3A_131 = vector.shape_cast %get3A_130 : vector<1x16xf32> to vector<16xf32>
      %add3A_132 = arith.addf %get3A_131, %get3A_17 : vector<16xf32>
      %max3A_133 = arith.constant 0.000000e+00 : f32
      %max3A_134 = vector.broadcast %max3A_133 : f32 to vector<16xf32>
      %max3A_135 = arith.maximumf %add3A_132, %max3A_134 : vector<16xf32>
      %broadcast_in_dim3A_136 = arith.constant 2 : i32
      %broadcast_in_dim3A_137 = vector.broadcast %broadcast_in_dim3A_136 : i32 to vector<16x1xi32>
      %gather3A_138 = vector.shape_cast %broadcast_in_dim3A_137 : vector<16x1xi32> to vector<16xi32>
      %gather3A_139 = tpu.dynamic_gather %get3A_83[%gather3A_138] in [0] : vector<16xf32>, vector<16xi32> -> vector<16xf32>
      %mul3A_140 = arith.mulf %max3A_135, %gather3A_139 : vector<16xf32>
      %swap3A_141 = arith.index_cast %add3A_127 : i32 to index
      %swap3A_142 = arith.constant 0 : index
      %swap3A_143 = tpu.vector_load %arg14[%swap3A_141, %swap3A_142] {strides = array<i32>} : memref<5008x16xf32, #tpu.memory_space<vmem>>, vector<1x16xf32>,
      %swap3A_144 = vector.shape_cast %swap3A_143 : vector<1x16xf32> to vector<16xf32>
      %swap3A_145 = vector.shape_cast %mul3A_140 : vector<16xf32> to vector<1x16xf32>
      tpu.vector_store %arg14[%swap3A_141, %swap3A_142], %swap3A_145 {strides = array<i32>} : memref<5008x16xf32, #tpu.memory_space<vmem>>, vector<1x16xf32>,
      %mul3A_146 = arith.constant 16 : i32
      %mul3A_147 = arith.muli %scan3A_77, %mul3A_146 : i32
      %add3A_148 = arith.constant 3 : i32
      %add3A_149 = arith.addi %mul3A_147, %add3A_148 : i32
      %get3A_150 = arith.index_cast %add3A_149 : i32 to index
      %get3A_151 = arith.constant 0 : index
      %get3A_152 = tpu.vector_load %arg14[%get3A_150, %get3A_151] {strides = array<i32>} : memref<5008x16xf32, #tpu.memory_space<vmem>>, vector<1x16xf32>,
      %get3A_153 = vector.shape_cast %get3A_152 : vector<1x16xf32> to vector<16xf32>
      %add3A_154 = arith.addf %get3A_153, %get3A_17 : vector<16xf32>
      %max3A_155 = arith.constant 0.000000e+00 : f32
      %max3A_156 = vector.broadcast %max3A_155 : f32 to vector<16xf32>
      %max3A_157 = arith.maximumf %add3A_154, %max3A_156 : vector<16xf32>
      %broadcast_in_dim3A_158 = arith.constant 3 : i32
      %broadcast_in_dim3A_159 = vector.broadcast %broadcast_in_dim3A_158 : i32 to vector<16x1xi32>
      %gather3A_160 = vector.shape_cast %broadcast_in_dim3A_159 : vector<16x1xi32> to vector<16xi32>
      %gather3A_161 = tpu.dynamic_gather %get3A_83[%gather3A_160] in [0] : vector<16xf32>, vector<16xi32> -> vector<16xf32>
      %mul3A_162 = arith.mulf %max3A_157, %gather3A_161 : vector<16xf32>
      %swap3A_163 = arith.index_cast %add3A_149 : i32 to index
      %swap3A_164 = arith.constant 0 : index
      %swap3A_165 = tpu.vector_load %arg14[%swap3A_163, %swap3A_164] {strides = array<i32>} : memref<5008x16xf32, #tpu.memory_space<vmem>>, vector<1x16xf32>,
      %swap3A_166 = vector.shape_cast %swap3A_165 : vector<1x16xf32> to vector<16xf32>
      %swap3A_167 = vector.shape_cast %mul3A_162 : vector<16xf32> to vector<1x16xf32>
      tpu.vector_store %arg14[%swap3A_163, %swap3A_164], %swap3A_167 {strides = array<i32>} : memref<5008x16xf32, #tpu.memory_space<vmem>>, vector<1x16xf32>,
      %mul3A_168 = arith.constant 16 : i32
      %mul3A_169 = arith.muli %scan3A_77, %mul3A_168 : i32
      %add3A_170 = arith.constant 4 : i32
      %add3A_171 = arith.addi %mul3A_169, %add3A_170 : i32
      %get3A_172 = arith.index_cast %add3A_171 : i32 to index
      %get3A_173 = arith.constant 0 : index
      %get3A_174 = tpu.vector_load %arg14[%get3A_172, %get3A_173] {strides = array<i32>} : memref<5008x16xf32, #tpu.memory_space<vmem>>, vector<1x16xf32>,
      %get3A_175 = vector.shape_cast %get3A_174 : vector<1x16xf32> to vector<16xf32>
      %add3A_176 = arith.addf %get3A_175, %get3A_17 : vector<16xf32>
      %max3A_177 = arith.constant 0.000000e+00 : f32
      %max3A_178 = vector.broadcast %max3A_177 : f32 to vector<16xf32>
      %max3A_179 = arith.maximumf %add3A_176, %max3A_178 : vector<16xf32>
      %broadcast_in_dim3A_180 = arith.constant 4 : i32
      %broadcast_in_dim3A_181 = vector.broadcast %broadcast_in_dim3A_180 : i32 to vector<16x1xi32>
      %gather3A_182 = vector.shape_cast %broadcast_in_dim3A_181 : vector<16x1xi32> to vector<16xi32>
      %gather3A_183 = tpu.dynamic_gather %get3A_83[%gather3A_182] in [0] : vector<16xf32>, vector<16xi32> -> vector<16xf32>
      %mul3A_184 = arith.mulf %max3A_179, %gather3A_183 : vector<16xf32>
      %swap3A_185 = arith.index_cast %add3A_171 : i32 to index
      %swap3A_186 = arith.constant 0 : index
      %swap3A_187 = tpu.vector_load %arg14[%swap3A_185, %swap3A_186] {strides = array<i32>} : memref<5008x16xf32, #tpu.memory_space<vmem>>, vector<1x16xf32>,
      %swap3A_188 = vector.shape_cast %swap3A_187 : vector<1x16xf32> to vector<16xf32>
      %swap3A_189 = vector.shape_cast %mul3A_184 : vector<16xf32> to vector<1x16xf32>
      tpu.vector_store %arg14[%swap3A_185, %swap3A_186], %swap3A_189 {strides = array<i32>} : memref<5008x16xf32, #tpu.memory_space<vmem>>, vector<1x16xf32>,
      %mul3A_190 = arith.constant 16 : i32
      %mul3A_191 = arith.muli %scan3A_77, %mul3A_190 : i32
      %add3A_192 = arith.constant 5 : i32
      %add3A_193 = arith.addi %mul3A_191, %add3A_192 : i32
      %get3A_194 = arith.index_cast %add3A_193 : i32 to index
      %get3A_195 = arith.constant 0 : index
      %get3A_196 = tpu.vector_load %arg14[%get3A_194, %get3A_195] {strides = array<i32>} : memref<5008x16xf32, #tpu.memory_space<vmem>>, vector<1x16xf32>,
      %get3A_197 = vector.shape_cast %get3A_196 : vector<1x16xf32> to vector<16xf32>
      %add3A_198 = arith.addf %get3A_197, %get3A_17 : vector<16xf32>
      %max3A_199 = arith.constant 0.000000e+00 : f32
      %max3A_200 = vector.broadcast %max3A_199 : f32 to vector<16xf32>
      %max3A_201 = arith.maximumf %add3A_198, %max3A_200 : vector<16xf32>
      %broadcast_in_dim3A_202 = arith.constant 5 : i32
      %broadcast_in_dim3A_203 = vector.broadcast %broadcast_in_dim3A_202 : i32 to vector<16x1xi32>
      %gather3A_204 = vector.shape_cast %broadcast_in_dim3A_203 : vector<16x1xi32> to vector<16xi32>
      %gather3A_205 = tpu.dynamic_gather %get3A_83[%gather3A_204] in [0] : vector<16xf32>, vector<16xi32> -> vector<16xf32>
      %mul3A_206 = arith.mulf %max3A_201, %gather3A_205 : vector<16xf32>
      %swap3A_207 = arith.index_cast %add3A_193 : i32 to index
      %swap3A_208 = arith.constant 0 : index
      %swap3A_209 = tpu.vector_load %arg14[%swap3A_207, %swap3A_208] {strides = array<i32>} : memref<5008x16xf32, #tpu.memory_space<vmem>>, vector<1x16xf32>,
      %swap3A_210 = vector.shape_cast %swap3A_209 : vector<1x16xf32> to vector<16xf32>
      %swap3A_211 = vector.shape_cast %mul3A_206 : vector<16xf32> to vector<1x16xf32>
      tpu.vector_store %arg14[%swap3A_207, %swap3A_208], %swap3A_211 {strides = array<i32>} : memref<5008x16xf32, #tpu.memory_space<vmem>>, vector<1x16xf32>,
      %mul3A_212 = arith.constant 16 : i32
      %mul3A_213 = arith.muli %scan3A_77, %mul3A_212 : i32
      %add3A_214 = arith.constant 6 : i32
      %add3A_215 = arith.addi %mul3A_213, %add3A_214 : i32
      %get3A_216 = arith.index_cast %add3A_215 : i32 to index
      %get3A_217 = arith.constant 0 : index
      %get3A_218 = tpu.vector_load %arg14[%get3A_216, %get3A_217] {strides = array<i32>} : memref<5008x16xf32, #tpu.memory_space<vmem>>, vector<1x16xf32>,
      %get3A_219 = vector.shape_cast %get3A_218 : vector<1x16xf32> to vector<16xf32>
      %add3A_220 = arith.addf %get3A_219, %get3A_17 : vector<16xf32>
      %max3A_221 = arith.constant 0.000000e+00 : f32
      %max3A_222 = vector.broadcast %max3A_221 : f32 to vector<16xf32>
      %max3A_223 = arith.maximumf %add3A_220, %max3A_222 : vector<16xf32>
      %broadcast_in_dim3A_224 = arith.constant 6 : i32
      %broadcast_in_dim3A_225 = vector.broadcast %broadcast_in_dim3A_224 : i32 to vector<16x1xi32>
      %gather3A_226 = vector.shape_cast %broadcast_in_dim3A_225 : vector<16x1xi32> to vector<16xi32>
      %gather3A_227 = tpu.dynamic_gather %get3A_83[%gather3A_226] in [0] : vector<16xf32>, vector<16xi32> -> vector<16xf32>
      %mul3A_228 = arith.mulf %max3A_223, %gather3A_227 : vector<16xf32>
      %swap3A_229 = arith.index_cast %add3A_215 : i32 to index
      %swap3A_230 = arith.constant 0 : index
      %swap3A_231 = tpu.vector_load %arg14[%swap3A_229, %swap3A_230] {strides = array<i32>} : memref<5008x16xf32, #tpu.memory_space<vmem>>, vector<1x16xf32>,
      %swap3A_232 = vector.shape_cast %swap3A_231 : vector<1x16xf32> to vector<16xf32>
      %swap3A_233 = vector.shape_cast %mul3A_228 : vector<16xf32> to vector<1x16xf32>
      tpu.vector_store %arg14[%swap3A_229, %swap3A_230], %swap3A_233 {strides = array<i32>} : memref<5008x16xf32, #tpu.memory_space<vmem>>, vector<1x16xf32>,
      %mul3A_234 = arith.constant 16 : i32
      %mul3A_235 = arith.muli %scan3A_77, %mul3A_234 : i32
      %add3A_236 = arith.constant 7 : i32
      %add3A_237 = arith.addi %mul3A_235, %add3A_236 : i32
      %get3A_238 = arith.index_cast %add3A_237 : i32 to index
      %get3A_239 = arith.constant 0 : index
      %get3A_240 = tpu.vector_load %arg14[%get3A_238, %get3A_239] {strides = array<i32>} : memref<5008x16xf32, #tpu.memory_space<vmem>>, vector<1x16xf32>,
      %get3A_241 = vector.shape_cast %get3A_240 : vector<1x16xf32> to vector<16xf32>
      %add3A_242 = arith.addf %get3A_241, %get3A_17 : vector<16xf32>
      %max3A_243 = arith.constant 0.000000e+00 : f32
      %max3A_244 = vector.broadcast %max3A_243 : f32 to vector<16xf32>
      %max3A_245 = arith.maximumf %add3A_242, %max3A_244 : vector<16xf32>
      %broadcast_in_dim3A_246 = arith.constant 7 : i32
      %broadcast_in_dim3A_247 = vector.broadcast %broadcast_in_dim3A_246 : i32 to vector<16x1xi32>
      %gather3A_248 = vector.shape_cast %broadcast_in_dim3A_247 : vector<16x1xi32> to vector<16xi32>
      %gather3A_249 = tpu.dynamic_gather %get3A_83[%gather3A_248] in [0] : vector<16xf32>, vector<16xi32> -> vector<16xf32>
      %mul3A_250 = arith.mulf %max3A_245, %gather3A_249 : vector<16xf32>
      %swap3A_251 = arith.index_cast %add3A_237 : i32 to index
      %swap3A_252 = arith.constant 0 : index
      %swap3A_253 = tpu.vector_load %arg14[%swap3A_251, %swap3A_252] {strides = array<i32>} : memref<5008x16xf32, #tpu.memory_space<vmem>>, vector<1x16xf32>,
      %swap3A_254 = vector.shape_cast %swap3A_253 : vector<1x16xf32> to vector<16xf32>
      %swap3A_255 = vector.shape_cast %mul3A_250 : vector<16xf32> to vector<1x16xf32>
      tpu.vector_store %arg14[%swap3A_251, %swap3A_252], %swap3A_255 {strides = array<i32>} : memref<5008x16xf32, #tpu.memory_space<vmem>>, vector<1x16xf32>,
      %mul3A_256 = arith.constant 16 : i32
      %mul3A_257 = arith.muli %scan3A_77, %mul3A_256 : i32
      %add3A_258 = arith.constant 8 : i32
      %add3A_259 = arith.addi %mul3A_257, %add3A_258 : i32
      %get3A_260 = arith.index_cast %add3A_259 : i32 to index
      %get3A_261 = arith.constant 0 : index
      %get3A_262 = tpu.vector_load %arg14[%get3A_260, %get3A_261] {strides = array<i32>} : memref<5008x16xf32, #tpu.memory_space<vmem>>, vector<1x16xf32>,
      %get3A_263 = vector.shape_cast %get3A_262 : vector<1x16xf32> to vector<16xf32>
      %add3A_264 = arith.addf %get3A_263, %get3A_17 : vector<16xf32>
      %max3A_265 = arith.constant 0.000000e+00 : f32
      %max3A_266 = vector.broadcast %max3A_265 : f32 to vector<16xf32>
      %max3A_267 = arith.maximumf %add3A_264, %max3A_266 : vector<16xf32>
      %broadcast_in_dim3A_268 = arith.constant 8 : i32
      %broadcast_in_dim3A_269 = vector.broadcast %broadcast_in_dim3A_268 : i32 to vector<16x1xi32>
      %gather3A_270 = vector.shape_cast %broadcast_in_dim3A_269 : vector<16x1xi32> to vector<16xi32>
      %gather3A_271 = tpu.dynamic_gather %get3A_83[%gather3A_270] in [0] : vector<16xf32>, vector<16xi32> -> vector<16xf32>
      %mul3A_272 = arith.mulf %max3A_267, %gather3A_271 : vector<16xf32>
      %swap3A_273 = arith.index_cast %add3A_259 : i32 to index
      %swap3A_274 = arith.constant 0 : index
      %swap3A_275 = tpu.vector_load %arg14[%swap3A_273, %swap3A_274] {strides = array<i32>} : memref<5008x16xf32, #tpu.memory_space<vmem>>, vector<1x16xf32>,
      %swap3A_276 = vector.shape_cast %swap3A_275 : vector<1x16xf32> to vector<16xf32>
      %swap3A_277 = vector.shape_cast %mul3A_272 : vector<16xf32> to vector<1x16xf32>
      tpu.vector_store %arg14[%swap3A_273, %swap3A_274], %swap3A_277 {strides = array<i32>} : memref<5008x16xf32, #tpu.memory_space<vmem>>, vector<1x16xf32>,
      %mul3A_278 = arith.constant 16 : i32
      %mul3A_279 = arith.muli %scan3A_77, %mul3A_278 : i32
      %add3A_280 = arith.constant 9 : i32
      %add3A_281 = arith.addi %mul3A_279, %add3A_280 : i32
      %get3A_282 = arith.index_cast %add3A_281 : i32 to index
      %get3A_283 = arith.constant 0 : index
      %get3A_284 = tpu.vector_load %arg14[%get3A_282, %get3A_283] {strides = array<i32>} : memref<5008x16xf32, #tpu.memory_space<vmem>>, vector<1x16xf32>,
      %get3A_285 = vector.shape_cast %get3A_284 : vector<1x16xf32> to vector<16xf32>
      %add3A_286 = arith.addf %get3A_285, %get3A_17 : vector<16xf32>
      %max3A_287 = arith.constant 0.000000e+00 : f32
      %max3A_288 = vector.broadcast %max3A_287 : f32 to vector<16xf32>
      %max3A_289 = arith.maximumf %add3A_286, %max3A_288 : vector<16xf32>
      %broadcast_in_dim3A_290 = arith.constant 9 : i32
      %broadcast_in_dim3A_291 = vector.broadcast %broadcast_in_dim3A_290 : i32 to vector<16x1xi32>
      %gather3A_292 = vector.shape_cast %broadcast_in_dim3A_291 : vector<16x1xi32> to vector<16xi32>
      %gather3A_293 = tpu.dynamic_gather %get3A_83[%gather3A_292] in [0] : vector<16xf32>, vector<16xi32> -> vector<16xf32>
      %mul3A_294 = arith.mulf %max3A_289, %gather3A_293 : vector<16xf32>
      %swap3A_295 = arith.index_cast %add3A_281 : i32 to index
      %swap3A_296 = arith.constant 0 : index
      %swap3A_297 = tpu.vector_load %arg14[%swap3A_295, %swap3A_296] {strides = array<i32>} : memref<5008x16xf32, #tpu.memory_space<vmem>>, vector<1x16xf32>,
      %swap3A_298 = vector.shape_cast %swap3A_297 : vector<1x16xf32> to vector<16xf32>
      %swap3A_299 = vector.shape_cast %mul3A_294 : vector<16xf32> to vector<1x16xf32>
      tpu.vector_store %arg14[%swap3A_295, %swap3A_296], %swap3A_299 {strides = array<i32>} : memref<5008x16xf32, #tpu.memory_space<vmem>>, vector<1x16xf32>,
      %mul3A_300 = arith.constant 16 : i32
      %mul3A_301 = arith.muli %scan3A_77, %mul3A_300 : i32
      %add3A_302 = arith.constant 10 : i32
      %add3A_303 = arith.addi %mul3A_301, %add3A_302 : i32
      %get3A_304 = arith.index_cast %add3A_303 : i32 to index
      %get3A_305 = arith.constant 0 : index
      %get3A_306 = tpu.vector_load %arg14[%get3A_304, %get3A_305] {strides = array<i32>} : memref<5008x16xf32, #tpu.memory_space<vmem>>, vector<1x16xf32>,
      %get3A_307 = vector.shape_cast %get3A_306 : vector<1x16xf32> to vector<16xf32>
      %add3A_308 = arith.addf %get3A_307, %get3A_17 : vector<16xf32>
      %max3A_309 = arith.constant 0.000000e+00 : f32
      %max3A_310 = vector.broadcast %max3A_309 : f32 to vector<16xf32>
      %max3A_311 = arith.maximumf %add3A_308, %max3A_310 : vector<16xf32>
      %broadcast_in_dim3A_312 = arith.constant 10 : i32
      %broadcast_in_dim3A_313 = vector.broadcast %broadcast_in_dim3A_312 : i32 to vector<16x1xi32>
      %gather3A_314 = vector.shape_cast %broadcast_in_dim3A_313 : vector<16x1xi32> to vector<16xi32>
      %gather3A_315 = tpu.dynamic_gather %get3A_83[%gather3A_314] in [0] : vector<16xf32>, vector<16xi32> -> vector<16xf32>
      %mul3A_316 = arith.mulf %max3A_311, %gather3A_315 : vector<16xf32>
      %swap3A_317 = arith.index_cast %add3A_303 : i32 to index
      %swap3A_318 = arith.constant 0 : index
      %swap3A_319 = tpu.vector_load %arg14[%swap3A_317, %swap3A_318] {strides = array<i32>} : memref<5008x16xf32, #tpu.memory_space<vmem>>, vector<1x16xf32>,
      %swap3A_320 = vector.shape_cast %swap3A_319 : vector<1x16xf32> to vector<16xf32>
      %swap3A_321 = vector.shape_cast %mul3A_316 : vector<16xf32> to vector<1x16xf32>
      tpu.vector_store %arg14[%swap3A_317, %swap3A_318], %swap3A_321 {strides = array<i32>} : memref<5008x16xf32, #tpu.memory_space<vmem>>, vector<1x16xf32>,
      %mul3A_322 = arith.constant 16 : i32
      %mul3A_323 = arith.muli %scan3A_77, %mul3A_322 : i32
      %add3A_324 = arith.constant 11 : i32
      %add3A_325 = arith.addi %mul3A_323, %add3A_324 : i32
      %get3A_326 = arith.index_cast %add3A_325 : i32 to index
      %get3A_327 = arith.constant 0 : index
      %get3A_328 = tpu.vector_load %arg14[%get3A_326, %get3A_327] {strides = array<i32>} : memref<5008x16xf32, #tpu.memory_space<vmem>>, vector<1x16xf32>,
      %get3A_329 = vector.shape_cast %get3A_328 : vector<1x16xf32> to vector<16xf32>
      %add3A_330 = arith.addf %get3A_329, %get3A_17 : vector<16xf32>
      %max3A_331 = arith.constant 0.000000e+00 : f32
      %max3A_332 = vector.broadcast %max3A_331 : f32 to vector<16xf32>
      %max3A_333 = arith.maximumf %add3A_330, %max3A_332 : vector<16xf32>
      %broadcast_in_dim3A_334 = arith.constant 11 : i32
      %broadcast_in_dim3A_335 = vector.broadcast %broadcast_in_dim3A_334 : i32 to vector<16x1xi32>
      %gather3A_336 = vector.shape_cast %broadcast_in_dim3A_335 : vector<16x1xi32> to vector<16xi32>
      %gather3A_337 = tpu.dynamic_gather %get3A_83[%gather3A_336] in [0] : vector<16xf32>, vector<16xi32> -> vector<16xf32>
      %mul3A_338 = arith.mulf %max3A_333, %gather3A_337 : vector<16xf32>
      %swap3A_339 = arith.index_cast %add3A_325 : i32 to index
      %swap3A_340 = arith.constant 0 : index
      %swap3A_341 = tpu.vector_load %arg14[%swap3A_339, %swap3A_340] {strides = array<i32>} : memref<5008x16xf32, #tpu.memory_space<vmem>>, vector<1x16xf32>,
      %swap3A_342 = vector.shape_cast %swap3A_341 : vector<1x16xf32> to vector<16xf32>
      %swap3A_343 = vector.shape_cast %mul3A_338 : vector<16xf32> to vector<1x16xf32>
      tpu.vector_store %arg14[%swap3A_339, %swap3A_340], %swap3A_343 {strides = array<i32>} : memref<5008x16xf32, #tpu.memory_space<vmem>>, vector<1x16xf32>,
      %mul3A_344 = arith.constant 16 : i32
      %mul3A_345 = arith.muli %scan3A_77, %mul3A_344 : i32
      %add3A_346 = arith.constant 12 : i32
      %add3A_347 = arith.addi %mul3A_345, %add3A_346 : i32
      %get3A_348 = arith.index_cast %add3A_347 : i32 to index
      %get3A_349 = arith.constant 0 : index
      %get3A_350 = tpu.vector_load %arg14[%get3A_348, %get3A_349] {strides = array<i32>} : memref<5008x16xf32, #tpu.memory_space<vmem>>, vector<1x16xf32>,
      %get3A_351 = vector.shape_cast %get3A_350 : vector<1x16xf32> to vector<16xf32>
      %add3A_352 = arith.addf %get3A_351, %get3A_17 : vector<16xf32>
      %max3A_353 = arith.constant 0.000000e+00 : f32
      %max3A_354 = vector.broadcast %max3A_353 : f32 to vector<16xf32>
      %max3A_355 = arith.maximumf %add3A_352, %max3A_354 : vector<16xf32>
      %broadcast_in_dim3A_356 = arith.constant 12 : i32
      %broadcast_in_dim3A_357 = vector.broadcast %broadcast_in_dim3A_356 : i32 to vector<16x1xi32>
      %gather3A_358 = vector.shape_cast %broadcast_in_dim3A_357 : vector<16x1xi32> to vector<16xi32>
      %gather3A_359 = tpu.dynamic_gather %get3A_83[%gather3A_358] in [0] : vector<16xf32>, vector<16xi32> -> vector<16xf32>
      %mul3A_360 = arith.mulf %max3A_355, %gather3A_359 : vector<16xf32>
      %swap3A_361 = arith.index_cast %add3A_347 : i32 to index
      %swap3A_362 = arith.constant 0 : index
      %swap3A_363 = tpu.vector_load %arg14[%swap3A_361, %swap3A_362] {strides = array<i32>} : memref<5008x16xf32, #tpu.memory_space<vmem>>, vector<1x16xf32>,
      %swap3A_364 = vector.shape_cast %swap3A_363 : vector<1x16xf32> to vector<16xf32>
      %swap3A_365 = vector.shape_cast %mul3A_360 : vector<16xf32> to vector<1x16xf32>
      tpu.vector_store %arg14[%swap3A_361, %swap3A_362], %swap3A_365 {strides = array<i32>} : memref<5008x16xf32, #tpu.memory_space<vmem>>, vector<1x16xf32>,
      %mul3A_366 = arith.constant 16 : i32
      %mul3A_367 = arith.muli %scan3A_77, %mul3A_366 : i32
      %add3A_368 = arith.constant 13 : i32
      %add3A_369 = arith.addi %mul3A_367, %add3A_368 : i32
      %get3A_370 = arith.index_cast %add3A_369 : i32 to index
      %get3A_371 = arith.constant 0 : index
      %get3A_372 = tpu.vector_load %arg14[%get3A_370, %get3A_371] {strides = array<i32>} : memref<5008x16xf32, #tpu.memory_space<vmem>>, vector<1x16xf32>,
      %get3A_373 = vector.shape_cast %get3A_372 : vector<1x16xf32> to vector<16xf32>
      %add3A_374 = arith.addf %get3A_373, %get3A_17 : vector<16xf32>
      %max3A_375 = arith.constant 0.000000e+00 : f32
      %max3A_376 = vector.broadcast %max3A_375 : f32 to vector<16xf32>
      %max3A_377 = arith.maximumf %add3A_374, %max3A_376 : vector<16xf32>
      %broadcast_in_dim3A_378 = arith.constant 13 : i32
      %broadcast_in_dim3A_379 = vector.broadcast %broadcast_in_dim3A_378 : i32 to vector<16x1xi32>
      %gather3A_380 = vector.shape_cast %broadcast_in_dim3A_379 : vector<16x1xi32> to vector<16xi32>
      %gather3A_381 = tpu.dynamic_gather %get3A_83[%gather3A_380] in [0] : vector<16xf32>, vector<16xi32> -> vector<16xf32>
      %mul3A_382 = arith.mulf %max3A_377, %gather3A_381 : vector<16xf32>
      %swap3A_383 = arith.index_cast %add3A_369 : i32 to index
      %swap3A_384 = arith.constant 0 : index
      %swap3A_385 = tpu.vector_load %arg14[%swap3A_383, %swap3A_384] {strides = array<i32>} : memref<5008x16xf32, #tpu.memory_space<vmem>>, vector<1x16xf32>,
      %swap3A_386 = vector.shape_cast %swap3A_385 : vector<1x16xf32> to vector<16xf32>
      %swap3A_387 = vector.shape_cast %mul3A_382 : vector<16xf32> to vector<1x16xf32>
      tpu.vector_store %arg14[%swap3A_383, %swap3A_384], %swap3A_387 {strides = array<i32>} : memref<5008x16xf32, #tpu.memory_space<vmem>>, vector<1x16xf32>,
      %mul3A_388 = arith.constant 16 : i32
      %mul3A_389 = arith.muli %scan3A_77, %mul3A_388 : i32
      %add3A_390 = arith.constant 14 : i32
      %add3A_391 = arith.addi %mul3A_389, %add3A_390 : i32
      %get3A_392 = arith.index_cast %add3A_391 : i32 to index
      %get3A_393 = arith.constant 0 : index
      %get3A_394 = tpu.vector_load %arg14[%get3A_392, %get3A_393] {strides = array<i32>} : memref<5008x16xf32, #tpu.memory_space<vmem>>, vector<1x16xf32>,
      %get3A_395 = vector.shape_cast %get3A_394 : vector<1x16xf32> to vector<16xf32>
      %add3A_396 = arith.addf %get3A_395, %get3A_17 : vector<16xf32>
      %max3A_397 = arith.constant 0.000000e+00 : f32
      %max3A_398 = vector.broadcast %max3A_397 : f32 to vector<16xf32>
      %max3A_399 = arith.maximumf %add3A_396, %max3A_398 : vector<16xf32>
      %broadcast_in_dim3A_400 = arith.constant 14 : i32
      %broadcast_in_dim3A_401 = vector.broadcast %broadcast_in_dim3A_400 : i32 to vector<16x1xi32>
      %gather3A_402 = vector.shape_cast %broadcast_in_dim3A_401 : vector<16x1xi32> to vector<16xi32>
      %gather3A_403 = tpu.dynamic_gather %get3A_83[%gather3A_402] in [0] : vector<16xf32>, vector<16xi32> -> vector<16xf32>
      %mul3A_404 = arith.mulf %max3A_399, %gather3A_403 : vector<16xf32>
      %swap3A_405 = arith.index_cast %add3A_391 : i32 to index
      %swap3A_406 = arith.constant 0 : index
      %swap3A_407 = tpu.vector_load %arg14[%swap3A_405, %swap3A_406] {strides = array<i32>} : memref<5008x16xf32, #tpu.memory_space<vmem>>, vector<1x16xf32>,
      %swap3A_408 = vector.shape_cast %swap3A_407 : vector<1x16xf32> to vector<16xf32>
      %swap3A_409 = vector.shape_cast %mul3A_404 : vector<16xf32> to vector<1x16xf32>
      tpu.vector_store %arg14[%swap3A_405, %swap3A_406], %swap3A_409 {strides = array<i32>} : memref<5008x16xf32, #tpu.memory_space<vmem>>, vector<1x16xf32>,
      %mul3A_410 = arith.constant 16 : i32
      %mul3A_411 = arith.muli %scan3A_77, %mul3A_410 : i32
      %add3A_412 = arith.constant 15 : i32
      %add3A_413 = arith.addi %mul3A_411, %add3A_412 : i32
      %get3A_414 = arith.index_cast %add3A_413 : i32 to index
      %get3A_415 = arith.constant 0 : index
      %get3A_416 = tpu.vector_load %arg14[%get3A_414, %get3A_415] {strides = array<i32>} : memref<5008x16xf32, #tpu.memory_space<vmem>>, vector<1x16xf32>,
      %get3A_417 = vector.shape_cast %get3A_416 : vector<1x16xf32> to vector<16xf32>
      %add3A_418 = arith.addf %get3A_417, %get3A_17 : vector<16xf32>
      %max3A_419 = arith.constant 0.000000e+00 : f32
      %max3A_420 = vector.broadcast %max3A_419 : f32 to vector<16xf32>
      %max3A_421 = arith.maximumf %add3A_418, %max3A_420 : vector<16xf32>
      %broadcast_in_dim3A_422 = arith.constant 15 : i32
      %broadcast_in_dim3A_423 = vector.broadcast %broadcast_in_dim3A_422 : i32 to vector<16x1xi32>
      %gather3A_424 = vector.shape_cast %broadcast_in_dim3A_423 : vector<16x1xi32> to vector<16xi32>
      %gather3A_425 = tpu.dynamic_gather %get3A_83[%gather3A_424] in [0] : vector<16xf32>, vector<16xi32> -> vector<16xf32>
      %mul3A_426 = arith.mulf %max3A_421, %gather3A_425 : vector<16xf32>
      %swap3A_427 = arith.index_cast %add3A_413 : i32 to index
      %swap3A_428 = arith.constant 0 : index
      %swap3A_429 = tpu.vector_load %arg14[%swap3A_427, %swap3A_428] {strides = array<i32>} : memref<5008x16xf32, #tpu.memory_space<vmem>>, vector<1x16xf32>,
      %swap3A_430 = vector.shape_cast %swap3A_429 : vector<1x16xf32> to vector<16xf32>
      %swap3A_431 = vector.shape_cast %mul3A_426 : vector<16xf32> to vector<1x16xf32>
      tpu.vector_store %arg14[%swap3A_427, %swap3A_428], %swap3A_431 {strides = array<i32>} : memref<5008x16xf32, #tpu.memory_space<vmem>>, vector<1x16xf32>,
      %scan3A_432 = arith.constant 0 : i32
      scf.yield %scan3A_432 : i32
    }
    %scan3A_65 = arith.constant 313 : i32
    "tpu.region"() ({
      %run_scoped3A = tpu.sem_alloc : memref<!tpu.dma_semaphore, #tpu.memory_space<semaphore_mem>>
      %dma_start3A_77 = arith.constant 0 : i32
      %dma_start3A_78 = arith.constant 0 : i32
      %dma_start3A_79 = tpu.memref_slice %arg17[%dma_start3A_77, %dma_start3A_78] : memref<10112x16xf32, #tpu.memory_space<vmem_shared>> -> memref<10112x16xf32, #tpu.memory_space<vmem_shared>>
      tpu.enqueue_indirect_dma source(%arg14 : memref<5008x16xf32, #tpu.memory_space<vmem>>) target(%dma_start3A_79 : memref<10112x16xf32, #tpu.memory_space<vmem_shared>>) offsets(%arg11 : memref<5008xi32, #tpu.memory_space<vmem>>) semaphore(%run_scoped3A : memref<!tpu.dma_semaphore, #tpu.memory_space<semaphore_mem>>) {add = true}
      %dma_wait3A_80 = arith.constant 0 : i32
      %dma_wait3A_81 = arith.constant 0 : i32
      %dma_wait3A_82 = tpu.memref_slice %arg17[%dma_wait3A_80, %dma_wait3A_81] : memref<10112x16xf32, #tpu.memory_space<vmem_shared>> -> memref<10112x16xf32, #tpu.memory_space<vmem_shared>>
      tpu.wait_indirect_dma semaphore(%run_scoped3A : memref<!tpu.dma_semaphore, #tpu.memory_space<semaphore_mem>>) src(%arg14 : memref<5008x16xf32, #tpu.memory_space<vmem>>) dst(%dma_wait3A_82 : memref<10112x16xf32, #tpu.memory_space<vmem_shared>>)
      tpu.yield
    }) : () -> ()
    %barrier3A_66 = arith.constant 0 : index
    tpu.barrier barrier_id(%barrier3A_66)
    %eq3A_67 = arith.constant 0 : i32
    %eq3A_68 = arith.cmpi eq, %arg0, %eq3A_67 : i32
    %convert_element_type3A_69 = arith.extui %eq3A_68 : i1 to i32
    %cond3A_70 = arith.constant 0 : i32
    %cond3A_71 = arith.cmpi ne, %convert_element_type3A_69, %cond3A_70 : i32
    scf.if %cond3A_71 {
      "tpu.region"() ({
        %run_scoped3A = tpu.sem_alloc : memref<!tpu.dma_semaphore, #tpu.memory_space<semaphore_mem>>
        %dma_start3A_77 = arith.constant 0 : i32
        %dma_start3A_78 = tpu.memref_slice %arg7[%mul3A_4, %dma_start3A_77] : memref<10112x16xf32, #tpu.memory_space<hbm>> -> memref<632x16xf32, #tpu.memory_space<hbm>>
        %dma_start3A_79 = arith.constant 0 : i32
        %dma_start3A_80 = tpu.memref_slice %arg17[%mul3A_4, %dma_start3A_79] : memref<10112x16xf32, #tpu.memory_space<vmem_shared>> -> memref<632x16xf32, #tpu.memory_space<vmem_shared>>
        tpu.enqueue_dma source(%dma_start3A_80 : memref<632x16xf32, #tpu.memory_space<vmem_shared>>) target(%dma_start3A_78 : memref<632x16xf32, #tpu.memory_space<hbm>>) target_semaphore(%run_scoped3A : memref<!tpu.dma_semaphore, #tpu.memory_space<semaphore_mem>>)
        %dma_wait3A_81 = arith.constant 0 : i32
        %dma_wait3A_82 = tpu.memref_slice %arg7[%mul3A_4, %dma_wait3A_81] : memref<10112x16xf32, #tpu.memory_space<hbm>> -> memref<632x16xf32, #tpu.memory_space<hbm>>
        %dma_wait3A_83 = arith.constant 0 : i32
        %dma_wait3A_84 = tpu.memref_slice %arg17[%mul3A_4, %dma_wait3A_83] : memref<10112x16xf32, #tpu.memory_space<vmem_shared>> -> memref<632x16xf32, #tpu.memory_space<vmem_shared>>
        tpu.wait_dma2 semaphore(%run_scoped3A : memref<!tpu.dma_semaphore, #tpu.memory_space<semaphore_mem>>) src(%dma_wait3A_84 : memref<632x16xf32, #tpu.memory_space<vmem_shared>>) dst(%dma_wait3A_82 : memref<632x16xf32, #tpu.memory_space<hbm>>)
        tpu.yield
      }) : () -> ()
    } else {
    }
    %eq3A_72 = arith.constant 1 : i32
    %eq3A_73 = arith.cmpi eq, %arg0, %eq3A_72 : i32
    %convert_element_type3A_74 = arith.extui %eq3A_73 : i1 to i32
    %cond3A_75 = arith.constant 0 : i32
    %cond3A_76 = arith.cmpi ne, %convert_element_type3A_74, %cond3A_75 : i32
    scf.if %cond3A_76 {
      "tpu.region"() ({
        %run_scoped3A = tpu.sem_alloc : memref<!tpu.dma_semaphore, #tpu.memory_space<semaphore_mem>>
        %dma_start3A_77 = arith.constant 0 : i32
        %dma_start3A_78 = tpu.memref_slice %arg8[%mul3A_4, %dma_start3A_77] : memref<10112x16xf32, #tpu.memory_space<hbm>> -> memref<632x16xf32, #tpu.memory_space<hbm>>
        %dma_start3A_79 = arith.constant 0 : i32
        %dma_start3A_80 = tpu.memref_slice %arg17[%mul3A_4, %dma_start3A_79] : memref<10112x16xf32, #tpu.memory_space<vmem_shared>> -> memref<632x16xf32, #tpu.memory_space<vmem_shared>>
        tpu.enqueue_dma source(%dma_start3A_80 : memref<632x16xf32, #tpu.memory_space<vmem_shared>>) target(%dma_start3A_78 : memref<632x16xf32, #tpu.memory_space<hbm>>) target_semaphore(%run_scoped3A : memref<!tpu.dma_semaphore, #tpu.memory_space<semaphore_mem>>)
        %dma_wait3A_81 = arith.constant 0 : i32
        %dma_wait3A_82 = tpu.memref_slice %arg8[%mul3A_4, %dma_wait3A_81] : memref<10112x16xf32, #tpu.memory_space<hbm>> -> memref<632x16xf32, #tpu.memory_space<hbm>>
        %dma_wait3A_83 = arith.constant 0 : i32
        %dma_wait3A_84 = tpu.memref_slice %arg17[%mul3A_4, %dma_wait3A_83] : memref<10112x16xf32, #tpu.memory_space<vmem_shared>> -> memref<632x16xf32, #tpu.memory_space<vmem_shared>>
        tpu.wait_dma2 semaphore(%run_scoped3A : memref<!tpu.dma_semaphore, #tpu.memory_space<semaphore_mem>>) src(%dma_wait3A_84 : memref<632x16xf32, #tpu.memory_space<vmem_shared>>) dst(%dma_wait3A_82 : memref<632x16xf32, #tpu.memory_space<hbm>>)
        tpu.yield
      }) : () -> ()
    } else {
    }
    return
  }
}

module attributes {stable_mosaic.version = 14 : i64} {
  func.func @body(%arg0: i32, %arg1: memref<632x256xf32, #tpu.memory_space<vmem>>, %arg2: memref<256x16xf32, #tpu.memory_space<vmem>>, %arg3: memref<632x16xf32, #tpu.memory_space<vmem>>) attributes {dimension_semantics = [#tpu.dimension_semantics<arbitrary>], iteration_bounds = array<i64: 16>, scalar_prefetch = 0 : i64, scratch_operands = 0 : i64, tpu.core_type = #tpu.core_type<tc>, window_params = [{transform_indices = @transform_0, window_bounds = array<i64: 632, 256>}, {pipeline_mode = #tpu.pipeline_mode<synchronous>, transform_indices = @transform_1, window_bounds = array<i64: 256, 16>}, {transform_indices = @transform_2, window_bounds = array<i64: 632, 16>}]} {
    %get3A = arith.constant 0 : index
    %get3A_0 = arith.constant 0 : index
    %get3A_1 = vector.load %arg1[%get3A, %get3A_0] : memref<632x256xf32, #tpu.memory_space<vmem>>, vector<632x256xf32>
    %get3A_2 = arith.constant 0 : index
    %get3A_3 = arith.constant 0 : index
    %get3A_4 = vector.load %arg2[%get3A_2, %get3A_3] : memref<256x16xf32, #tpu.memory_space<vmem>>, vector<256x16xf32>
    %dot_general3A = arith.constant dense<0.000000e+00> : vector<632x16xf32>
    %dot_general3A_5 = tpu.matmul %get3A_1, %get3A_4, %dot_general3A {dimension_numbers = #tpu.dot_dimension_numbers<[1], [0], [0], [1], [0, 0, 1, 1], [], []>, transpose_lhs_hint = false} : vector<632x256xf32>, vector<256x16xf32>, vector<632x16xf32> -> vector<632x16xf32>
    %swap3A = arith.constant 0 : index
    %swap3A_6 = arith.constant 0 : index
    %swap3A_7 = vector.load %arg3[%swap3A, %swap3A_6] : memref<632x16xf32, #tpu.memory_space<vmem>>, vector<632x16xf32>
    tpu.vector_store %arg3[%swap3A, %swap3A_6], %dot_general3A_5 {strides = array<i32>} : memref<632x16xf32, #tpu.memory_space<vmem>>, vector<632x16xf32>,
    return
  }
  func.func @transform_0(%arg0: i32) -> (i32, i32) {
    %c0_i32 = arith.constant 0 : i32
    %c0_i32_0 = arith.constant 0 : i32
    return %arg0, %c0_i32 : i32, i32
  }
  func.func @transform_1(%arg0: i32) -> (i32, i32) {
    %c0_i32 = arith.constant 0 : i32
    %c0_i32_0 = arith.constant 0 : i32
    %c0_i32_1 = arith.constant 0 : i32
    return %c0_i32, %c0_i32_0 : i32, i32
  }
  func.func @transform_2(%arg0: i32) -> (i32, i32) {
    %c0_i32 = arith.constant 0 : i32
    %c0_i32_0 = arith.constant 0 : i32
    return %arg0, %c0_i32 : i32, i32
  }
}

module attributes {stable_mosaic.version = 14 : i64} {
  func.func @body(%arg0: i32, %arg1: memref<632x16xf32, #tpu.memory_space<vmem>>, %arg2: memref<632x16xf32, #tpu.memory_space<vmem>>, %arg3: memref<16x7xf32, #tpu.memory_space<vmem>>, %arg4: memref<1x7xf32, #tpu.memory_space<vmem>>, %arg5: memref<632x7xf32, #tpu.memory_space<vmem>>) attributes {dimension_semantics = [#tpu.dimension_semantics<arbitrary>], iteration_bounds = array<i64: 16>, scalar_prefetch = 0 : i64, scratch_operands = 0 : i64, tpu.core_type = #tpu.core_type<tc>, window_params = [{transform_indices = @transform_0, window_bounds = array<i64: 632, 16>}, {transform_indices = @transform_1, window_bounds = array<i64: 632, 16>}, {pipeline_mode = #tpu.pipeline_mode<synchronous>, transform_indices = @transform_2, window_bounds = array<i64: 16, 7>}, {pipeline_mode = #tpu.pipeline_mode<synchronous>, transform_indices = @transform_3, window_bounds = array<i64: 1, 7>}, {transform_indices = @transform_4, window_bounds = array<i64: 632, 7>}]} {
    %get3A = arith.constant 0 : index
    %get3A_0 = arith.constant 0 : index
    %get3A_1 = vector.load %arg1[%get3A, %get3A_0] : memref<632x16xf32, #tpu.memory_space<vmem>>, vector<632x16xf32>
    %get3A_2 = arith.constant 0 : index
    %get3A_3 = arith.constant 0 : index
    %get3A_4 = vector.load %arg2[%get3A_2, %get3A_3] : memref<632x16xf32, #tpu.memory_space<vmem>>, vector<632x16xf32>
    %add3A = arith.addf %get3A_1, %get3A_4 : vector<632x16xf32>
    %get3A_5 = arith.constant 0 : index
    %get3A_6 = arith.constant 0 : index
    %get3A_7 = vector.load %arg3[%get3A_5, %get3A_6] : memref<16x7xf32, #tpu.memory_space<vmem>>, vector<16x7xf32>
    %dot_general3A = arith.constant dense<0.000000e+00> : vector<632x7xf32>
    %dot_general3A_8 = tpu.matmul %add3A, %get3A_7, %dot_general3A {dimension_numbers = #tpu.dot_dimension_numbers<[1], [0], [0], [1], [0, 0, 1, 1], [], []>, transpose_lhs_hint = false} : vector<632x16xf32>, vector<16x7xf32>, vector<632x7xf32> -> vector<632x7xf32>
    %get3A_9 = arith.constant 0 : index
    %get3A_10 = arith.constant 0 : index
    %get3A_11 = vector.load %arg4[%get3A_9, %get3A_10] : memref<1x7xf32, #tpu.memory_space<vmem>>, vector<1x7xf32>
    %add3A_12 = vector.broadcast %get3A_11 : vector<1x7xf32> to vector<632x7xf32>
    %add3A_13 = arith.addf %dot_general3A_8, %add3A_12 : vector<632x7xf32>
    %swap3A = arith.constant 0 : index
    %swap3A_14 = arith.constant 0 : index
    %swap3A_15 = vector.load %arg5[%swap3A, %swap3A_14] : memref<632x7xf32, #tpu.memory_space<vmem>>, vector<632x7xf32>
    tpu.vector_store %arg5[%swap3A, %swap3A_14], %add3A_13 {strides = array<i32>} : memref<632x7xf32, #tpu.memory_space<vmem>>, vector<632x7xf32>,
    return
  }
  func.func @transform_0(%arg0: i32) -> (i32, i32) {
    %c0_i32 = arith.constant 0 : i32
    %c0_i32_0 = arith.constant 0 : i32
    return %arg0, %c0_i32 : i32, i32
  }
  func.func @transform_1(%arg0: i32) -> (i32, i32) {
    %c0_i32 = arith.constant 0 : i32
    %c0_i32_0 = arith.constant 0 : i32
    return %arg0, %c0_i32 : i32, i32
  }
  func.func @transform_2(%arg0: i32) -> (i32, i32) {
    %c0_i32 = arith.constant 0 : i32
    %c0_i32_0 = arith.constant 0 : i32
    %c0_i32_1 = arith.constant 0 : i32
    return %c0_i32, %c0_i32_0 : i32, i32
  }
  func.func @transform_3(%arg0: i32) -> (i32, i32) {
    %c0_i32 = arith.constant 0 : i32
    %c0_i32_0 = arith.constant 0 : i32
    %c0_i32_1 = arith.constant 0 : i32
    return %c0_i32, %c0_i32_0 : i32, i32
  }
  func.func @transform_4(%arg0: i32) -> (i32, i32) {
    %c0_i32 = arith.constant 0 : i32
    %c0_i32_0 = arith.constant 0 : i32
    return %arg0, %c0_i32 : i32, i32
  }
}

</mosaic_0001>

<sc_bundles>
// kernel: kernel.5.cloned.1.call-start
scs
__scs_entry_jumppad:
0x0: {  	(pc) =	sbr.rel $0x88, $3  }
0x1: {  	(tag) =	ssettag $0x0;
	lr =	simm.s32 $0x1  }
0x2: {  	[smem:$0x3F9A] =	sst lr;
	_ =	strace $0xD0000000  }
0x3: {  	_ = 	snop  }
0x4: {  	_ = 	snop  }
0x5: {  	_ = 	snop  }
0x6: {  	_ = 	snop  }
0x7: {  	_ = 	snop  }
__scs_overlays_trampoline_lowered:
0x8: {  	[smem:$0x3FA9] =	sst s0  }
0x9: {  	[smem:$0x3FAA] =	sst s1  }
0xa: {  	[smem:$0x3FAB] =	sst s2  }
0xb: {  	[smem:$0x3FAC] =	sst s3  }
0xc: {  	[smem:$0x3FAD] =	sst s4  }
0xd: {  	[smem:$0x3FAE] =	sst s5  }
0xe: {  	[smem:$0x3FAF] =	sst s6  }
0xf: {  	[smem:$0x3FB0] =	sst s7  }
0x10: {  	[smem:$0x3FB1] =	sst s8  }
0x11: {  	[smem:$0x3FB2] =	sst s9;
	s0 =	simm.s32 @!p0 $0x0  }
0x12: {  	s1 =	sld [smem:$0x3F98];
	s0 =	simm.s32 @p0 $0x1  }
0x13: {  	[smem:$0x3FB3] =	sst s0;
	s0 =	simm.s32 @!p1 $0x0  }
0x14: {  	s2 =	sld [smem:$0x3F97];
	s0 =	simm.s32 @p1 $0x1  }
0x15: {  	[smem:$0x3FB4] =	sst s0;
	s0 =	simm.s32 @!p2 $0x0  }
0x16: {  	s3 =	sld [smem:$0x3FDB];
	s0 =	simm.s32 @p2 $0x1  }
0x17: {  	s4 =	simm.s32 $0x1BF5;
	[smem:$0x3FB6] =	sst s0  }
0x18: {  	s0 =	sld [smem:$0x3F99];
	_ =	swait.ge [sflag:s4], $0x0  }
0x19: {  	s7 =	sld [smem:$0x3F9A]  }
0x1a: {  	s8 =	sadd.s32 $0xFFFFE003, lr  }
0x1b: {  	s9 =	sadd.s32 $0xFFFFFEF7, lr;
	s5 =	simm.s32 $0xFFFFFFFF;
	p2 =	slt.u32 s8, $0xFFFFF086  }
0x1c: {  	p1 =	slt.u32 s9, $0xF7A;
	s5 =	simm.s32 @!p2 $0x0  }
0x1d: {  	s5 =	simm.s32 @p1 $0x1;
	p0 =	seq.s32 s7, s2  }
0x1e: {  	s7 =	smul.u32 @!p0 $0xF7A, s2;
	p2 =	seq.s32 @!p0 s5, $0x0  }
0x1f: {  	s9 =	smul.u32 $0xF7A, s1;
	s8 =	simm.s32 @!p0 $0x1BF5;
	p2 =	por !p2, p0  }
0x20: {  	[sflag:s8] =	ssyncset.s32 @!p0 $0xFFFFF086;
	s6 =	sadd.s32 @!p0 s3, s7;
	s7 =	simm.s32 @!p0 $0x108  }
0x21: {  	s3 =	sadd.s32 s3, s9;
	s6 =	sadd.s32 @!p0 $0x88, s6;
	s7 =	simm.s32 @p2 $0x1082  }
0x22: {  	[simem:s7], [sflag:s8] =	dma.local @!p0 [hbm:s6], $0xF7A  }
0x23: {  	s9 =	sor.u32 $0xD0000000, s2;
	s6 =	simm.s32 $0x108;
	_ =	swait.ge @!p0 [sflag:s8], $0x0  }
0x24: {  	s3 =	sadd.s32 $0x88, s3;
	s6 =	simm.s32 @!p1 $0x1082;
	[sflag:s4] =	ssyncset.s32 $0xFFFFF086  }
0x25: {  	[simem:s6], [sflag:s4] =	dma.local [hbm:s3], $0xF7A  }
0x26: {  	[smem:$0x3F9A] =	sst s1;
	(tag) =	ssettag s2;
	_ =	strace s9  }
0x27: {  	s1 =	sld [smem:$0x3FAA]  }
0x28: {  	s2 =	sld [smem:$0x3FAB]  }
0x29: {  	s4 =	sld [smem:$0x3FAD]  }
0x2a: {  	p0 =	seq.s32 s5, $0x0;
	s5 =	sld [smem:$0x3FAE]  }
0x2b: {  	s6 =	sld [smem:$0x3FAF]  }
0x2c: {  	s7 =	sld [smem:$0x3FB0]  }
0x2d: {  	s3 =	simm.s32 $0x108;
	s8 =	sld [smem:$0x3FB1]  }
0x2e: {  	s3 =	simm.s32 @!p0 $0x1082;
	s9 =	sld [smem:$0x3FB2]  }
0x2f: {  	lr =	sadd.s32 s0, s3;
	s0 =	sld [smem:$0x3FA9]  }
0x30: {  	s3 =	sld [smem:$0x3FAC]  }
0x31: {  	[smem:$0x3FB5] =	sst s10  }
0x32: {  	s10 =	sld [smem:$0x3FB3];
	_ =	sdelay $0x3  }
0x33: {  	p0 =	seq.s32 s10, $0x1;
	s10 =	sld [smem:$0x3FB5];
	_ =	sdelay $0x3  }
0x34: {  	[smem:$0x3FB5] =	sst s10  }
0x35: {  	s10 =	sld [smem:$0x3FB4];
	_ =	sdelay $0x3  }
0x36: {  	p1 =	seq.s32 s10, $0x1;
	s10 =	sld [smem:$0x3FB5];
	_ =	sdelay $0x3  }
0x37: {  	[smem:$0x3FB5] =	sst s10  }
0x38: {  	s10 =	sld [smem:$0x3FB6]  }
0x39: {  	_ = 	snop;
	(pc) =	sbr.ind lr, $3  }
0x3a: {  	_ = 	snop  }
0x3b: {  	_ = 	snop  }
0x3c: {  	p2 =	seq.s32 s10, $0x1;
	s10 =	sld [smem:$0x3FB5]  }
0x3d: {  	_ =	shalt  }
0x3e: {  	_ =	shalt  }
0x3f: {  	_ =	shalt  }
0x40: {  	_ =	shalt  }
0x41: {  	_ =	shalt  }
0x42: {  	_ =	shalt  }
0x43: {  	_ =	shalt  }
0x44: {  	_ =	shalt  }
0x45: {  	_ =	shalt  }
0x46: {  	_ =	shalt  }
0x47: {  	_ =	shalt  }
0x48: {  	_ =	shalt  }
0x49: {  	_ =	shalt  }
0x4a: {  	_ =	shalt  }
0x4b: {  	_ =	shalt  }
0x4c: {  	_ =	shalt  }
0x4d: {  	_ =	shalt  }
0x4e: {  	_ =	shalt  }
0x4f: {  	_ =	shalt  }
0x50: {  	_ =	shalt  }
0x51: {  	_ =	shalt  }
0x52: {  	_ =	shalt  }
0x53: {  	_ =	shalt  }
0x54: {  	_ =	shalt  }
0x55: {  	_ =	shalt  }
0x56: {  	_ =	shalt  }
0x57: {  	_ =	shalt  }
0x58: {  	_ =	shalt  }
0x59: {  	_ =	shalt  }
0x5a: {  	_ =	shalt  }
0x5b: {  	_ =	shalt  }
0x5c: {  	_ =	shalt  }
0x5d: {  	_ =	shalt  }
0x5e: {  	_ =	shalt  }
0x5f: {  	_ =	shalt  }
0x60: {  	_ =	shalt  }
0x61: {  	_ =	shalt  }
0x62: {  	_ =	shalt  }
0x63: {  	_ =	shalt  }
0x64: {  	_ =	shalt  }
0x65: {  	_ =	shalt  }
0x66: {  	_ =	shalt  }
0x67: {  	_ =	shalt  }
0x68: {  	_ =	shalt  }
0x69: {  	_ =	shalt  }
0x6a: {  	_ =	shalt  }
0x6b: {  	_ =	shalt  }
0x6c: {  	_ =	shalt  }
0x6d: {  	_ =	shalt  }
0x6e: {  	_ =	shalt  }
0x6f: {  	_ =	shalt  }
0x70: {  	_ =	shalt  }
0x71: {  	_ =	shalt  }
0x72: {  	_ =	shalt  }
0x73: {  	_ =	shalt  }
0x74: {  	_ =	shalt  }
0x75: {  	_ =	shalt  }
0x76: {  	_ =	shalt  }
0x77: {  	_ =	shalt  }
0x78: {  	_ =	shalt  }
0x79: {  	_ =	shalt  }
0x7a: {  	_ =	shalt  }
0x7b: {  	_ =	shalt  }
0x7c: {  	_ =	shalt  }
0x7d: {  	_ =	shalt  }
0x7e: {  	_ =	shalt  }
0x7f: {  	_ =	shalt  }
0x80: {  	_ =	shalt  }
0x81: {  	_ =	shalt  }
0x82: {  	_ =	shalt  }
0x83: {  	_ =	shalt  }
0x84: {  	_ =	shalt  }
0x85: {  	_ =	shalt  }
0x86: {  	_ =	shalt  }
0x87: {  	_ =	shalt  }
.Lfunc_end0:
.L_simem_size_0:
called_computation_lowered:
.L_overlay_start_0:
0x88: {  	s2 =	sld [smem:$0x3FD9]  }
0x89: {  	s3 =	sld [smem:$0x3FFE];
	_ =	sdelay $0x1  }
0x8a: {  	s1 =	srdreg.scid  }
0x8b: {  	s0 =	sand.u32 $0x1, s1  }
0x8c: {  	s17 =	sshll.u32 s0, $0xA;
	s2 =	sadd.s32 s3, s2  }
0x8d: {  	s2 =	sadd.s32 s2, s17  }
0x8e: {  	[smem:$0x3FC1] =	sst s2  }
0x8f: {  	_ = 	snop  }
0x90: {  	s2 =	sld [smem:$0x3FC5];
	(tm) =	ssettm $0x1  }
0x91: {  	s18 =	sld [smem:$0x3FFB];
	_ =	sdelay $0x3  }
0x92: {  	_ =	strace s18  }
0x93: {  	s3 =	sld [smem:$0x3FFC];
	_ =	sdelay $0x3  }
0x94: {  	_ =	strace s3  }
0x95: {  	s3 =	sld [smem:$0x3FFD];
	_ =	sdelay $0x3  }
0x96: {  	_ =	strace s3  }
0x97: {  	_ =	strace $0x8FFFFFFF  }
0x98: {  	s19 =	sld [smem:$0x3FDB];
	_ =	sdelay $0x1  }
0x99: {  	s4 =	simm.s32 $_scs_section_size  }
0x9a: {  	s5 =	simm.s32 $_size__tile_overlayer_lowered;
	s6 =	simm.s32 $_tile_overlayer_lowered  }
0x9b: {  	s22 =	simm.s32 $0x1BFF;
	s21 =	sshll.u32 s6, $0x1;
	s3 =	sadd.s32 s4, s19  }
0x9c: {  	s7 =	simm.s32 $0x0;
	s20 =	sshll.u32 s5, $0x1;
	s5 =	sadd.s32 s21, s3  }
0x9d: {  	[timem:s7], [sflag:s22] =	dma.local [hbm:s5], s20  }
0x9e: {  	_ =	swait.ge [sflag:s22], s20  }
0x9f: {  	s4 =	ssub.s32 $0x0, s20;
	[sflag:s22] =	ssyncset.done $0x0  }
0xa0: {  	[sflag:s22] =	ssyncadd.s32 s4;
	_ =	sdelay $0x1  }
0xa1: {  	s23 =	simm.s32 $0x1B8B  }
0xa2: {  	_ =	swait.ge [sflag:s23], $0x1  }
0xa3: {  	[sflag:s23] =	ssyncset.done $0x0  }
0xa4: {  	s25 =	simm.s32 $0x1B8E;
	s24 =	sld [smem:$0x3FFE];
	[sflag:s23] =	ssyncadd.s32 $0xFFFFFFFF  }
0xa5: {  	s26 =	simm.s32 $execute0_lowered;
	[smem:$0x3FD2] =	sst s25  }
0xa6: {  	s5 =	sshll.u32 s26, $0x1;
	_ =	strace $0x80000046;
	[dreg:$0x1] =	wrdreg $0xFFFFFFFF  }
0xa7: {  	s28 =	simm.s32 $_size_execute0_lowered;
	s3 =	sadd.s32 s3, s5;
	[dreg:$0x0] =	wrdreg $0x0  }
0xa8: {  	s5 =	sshll.u32 s28, $0x1;
	[dreg:$0x2] =	wrdreg s3  }
0xa9: {  	[dreg:$0x3] =	wrdreg s5  }
0xaa: {  	[dreg:$0x4] =	wrdreg $0xC0  }
0xab: {  	_ =	task [dreg:s7], $0x5FFFF  }
0xac: {  	[dreg:$0x1] =	wrdreg $0xFFFFFFFF  }
0xad: {  	[dreg:$0x0] =	wrdreg $0x60  }
0xae: {  	[dreg:$0x2] =	wrdreg s24  }
0xaf: {  	[dreg:$0x3] =	wrdreg s2  }
0xb0: {  	[dreg:$0x4] =	wrdreg $0x19B400  }
0xb1: {  	[dreg:$0x5] =	wrdreg $0x9  }
0xb2: {  	_ =	task.clear_ibuf [dreg:s7], $0x6FFFF;
	_ =	strace $0x90000046  }
0xb3: {  	s29 =	simm.s32 $0x9;
	_ =	strace $0x80000048  }
0xb4: {  	_ =	swait.ge [sflag:s29], $0x1  }
0xb5: {  	[sflag:s29] =	ssyncadd.s32 $0xFFFFFFFF  }
0xb6: {  	_ =	strace $0x90000048  }
0xb7: {  	_ =	sfence  }
0xb8: {  	s30 =	sld [smem:$0x0];
	_ =	sdelay $0x2  }
0xb9: {  	s31 =	sshll.u32 s1, $0xD;
	s1 =	sshrl.u32 s1, $0x2  }
0xba: {  	s3 =	sand.u32 $0x4000, s31;
	s1 =	sadd.s32 s1, s30  }
0xbb: {  	s0 =	sor.u32 s3, s0;
	s1 =	sshll.u32 s1, $0x11  }
0xbc: {  	s0 =	sor.u32 s1, s0  }
0xbd: {  	s0 =	sadd.s32 $0x8F2B, s0  }
0xbe: {  	[sflag:s0] =	ssyncadd.remote.s32 $0x1  }
0xbf: {  	_ =	sfence.sel $0xFFFF  }
0xc0: {  	[dreg:$0x0] =	wrdreg $0xFFFFFFFF;
	(pc) =	sbr.abs _section_cstart, $3  }
0xc1: {  	[dreg:$0x1] =	wrdreg $0xFFFFFFFF  }
0xc2: {  	_ =	task.clear_ibuf [dreg:s7], $0x2FFFF;
	_ =	strace $0x9FFFFFFF  }
0xc3: {  	(tm) =	ssettm $0x7FFFFFFF  }
tec
execute0_lowered:
.L_overlay_start_1:
0x0: {  	(tag) =	ssettag $0x1  }
0x1: {  	s0 =	rddreg [dreg:$0x0];
	s2 =	srdreg.scid  }
0x2: {  	s3 =	rddreg [dreg:$0x2];
	s1 =	stileid.u32;
	s4 =	simm.s32 $0x0  }
0x3: {  	s18 =	simm.s32 $0x173B0;
	s19 =	simm.s32 $0x3;
	s20 =	simm.s32 $0x19B30  }
0x4: {  	s21 =	simm.s32 $0x1;
	s22 =	simm.s32 $0x3AB0;
	s23 =	simm.s32 $0x100000  }
0x5: {  	s25 =	simm.s32 $0x2;
	s26 =	simm.s32 $0x0;
	s12 =	sand.u32 $0x1, s2  }
0x6: {  	[smem:$0x7FF] =	sst s4;
	s15 =	sadd.s32 $0x23800, s0;
	s16 =	sadd.s32 $0x1E800, s0  }
0x7: {  	s6 =	sadd.s32 $0x14800, s0;
	s7 =	sadd.s32 $0x19800, s0;
	s13 =	smul.u32 $0x2780, s1  }
0x8: {  	s14 =	sand.u32 $0x2, s2;
	s5 =	sshll.u32 s12, $0x4;
	_ =	strace $0x80000047  }
0x9: {  	s8 =	ssub.s32 $0x2, s12;
	p0 =	seq.s32 s12, $0x0;
	s30 =	ssub.s32 s14, s12  }
0xa: {  	s14 =	smov.u32 s7;
	s12 =	sshrl.u32 s2, $0x2;
	s5 =	sor.u32 s1, s5  }
0xb: {  	v0 =	vimm.f32 $0.0e+00;
	v1 =	vimm.s32 $0x0;
	s29 =	sshrl.u32 s8, $0x1;
	s11 =	sadd.s32 s13, s3;
	s17 =	sshrl.u32 s13, $0x3  }
0xc: {  	v2 =	vimm.s32 $0x1;
	v3 =	vimm.s32 $0x2;
	v4 =	vimm.s32 $0x3;
	s14 =	smov.u32 @p0 s6;
	s16 =	smov.u32 @p0 s15;
	s5 =	smul.u32 $0x272, s5  }
0xd: {  	v5 =	vimm.s32 $0x4;
	v6 =	vimm.s32 $0x5;
	v7 =	vimm.s32 $0x6;
	s31 =	sadd.s32 $0x5, s30;
	s14 =	sadd.s32 s14, s17;
	s15 =	sadd.s32 s16, s17  }
0xe: {  	v8 =	vimm.s32 $0x7;
	v9 =	vimm.s32 $0x8;
	v10 =	vimm.s32 $0x9;
	s16 =	simm.s32 $0x1390;
	s24 =	sshll.u32 s31, $0xE;
	s10 =	sadd.s32 s5, s0  }
0xf: {  	v11 =	vimm.s32 $0xA;
	v12 =	vimm.s32 $0xB;
	v13 =	vimm.s32 $0xC;
	s5 =	sadd.s32 $0xA800, s0;
	s0 =	ssub.s32 s8, s29;
	s8 =	sadd.s32 $0x5800, s10  }
0x10: {  	v14 =	vimm.s32 $0xD;
	v15 =	vimm.s32 $0xE;
	v16 =	vimm.s32 $0xF;
	s9 =	sadd.s32 $0x800, s10;
	s10 =	sadd.s32 $0xF800, s10;
	s13 =	smax.u32 s0, $0x1  }
.LBB2_1:
0x11: {  	[tilespmem:s4], [sflag:$0x1] =	stream.linear.gather [hbm4b:s8+s4], $0x1390, $0x38;
	[tilespmem:$0x1C2C0] =	vst v63  }
0x12: {  	_ = 	snop  }
0x13: {  	[tilespmem:s16], [sflag:$0x1] =	stream.linear.gather [hbm4b:s9+s4], $0x1390, $0x38;
	[tilespmem:$0x1C2C0] =	vst v63  }
0x14: {  	s0 =	simm.s32 $0x2720  }
0x15: {  	[tilespmem:s0], [sflag:$0x1] =	stream.linear.gather [hbm4b:s10+s4], $0x1390, $0x38;
	[tilespmem:$0x1C2C0] =	vst v63  }
0x16: {  	s2 =	simm.s32 $0x0;
	s0 =	simm.s32 $0x40  }
.LBB2_2:
0x17: {  	p0 =	sne.s32 s0, $0x9DC0;
	[tilespmem:s2+$0x173B0] =	vst v0;
	s2 =	smov.u32 s0;
	s0 =	sadd.s32 $0x40, s0  }
.Ltmp0:
0x18: {  	(pc) =	sbr.rel @p0 .LBB2_2-.Ltmp0, $2  }
0x19: {  	_ =	sdelay $0x2  }
0x1a: {  	s2 =	sshra.s32 s2, $0x2  }
0x1b: {  	[tilespmem:s2+$0x173B0] =	vst v0  }
0x1c: {  	[spmem:s11] =	stream.linear.scatter [tilespmem:s18], [sflag:$0x3], $0x2780, $0x38;
	[tilespmem:$0x1C2C0] =	vst v63  }
0x1d: {  	_ =	swait.ge [sflag:s19], $0x2780  }
0x1e: {  	[sflag:s19] =	ssyncset.done $0x0  }
0x1f: {  	[sflag:s19] =	ssyncadd.s32 $0xFFFFD880  }
0x20: {  	s0 =	simm.s32 $0x0;
	s31 =	rddreg [dreg:$0x1]  }
0x21: {  	[tilespmem:s20], [sflag:$0x3] =	stream.linear.gather [hbm4b:s31+s0], $0x10, $0x38;
	[tilespmem:$0x1C2C0] =	vst v63  }
0x22: {  	_ =	swait.ge [sflag:s19], $0x10  }
0x23: {  	[sflag:s19] =	ssyncset.done $0x0  }
0x24: {  	[sflag:s19] =	ssyncadd.s32 $0xFFFFFFF0  }
0x25: {  	v17 =	vld [tilespmem:$0x19B30];
	_ =	swait.ge [sflag:s21], $0x1390  }
0x26: {  	[sflag:s21] =	ssyncset.done $0x0  }
0x27: {  	[sflag:s21] =	ssyncadd.s32 $0xFFFFEC70  }
0x28: {  	_ =	swait.ge [sflag:s21], $0x1390  }
0x29: {  	[sflag:s21] =	ssyncset.done $0x0  }
0x2a: {  	[sflag:s21] =	ssyncadd.s32 $0xFFFFEC70  }
0x2b: {  	_ =	swait.ge [sflag:s21], $0x1390  }
0x2c: {  	[sflag:s21] =	ssyncset.done $0x0  }
0x2d: {  	[sflag:s21] =	ssyncadd.s32 $0xFFFFEC70  }
0x2e: {  	[bflag:$0x0] =	sbarrier.arrive $0xFFFF  }
0x2f: {  	[tilespmem:s22], [sflag:$0x1] =	stream.indirect.gather [hbm4b:s5+s16], $0x10, s16, s16, $0xb8;
	[tilespmem:$0x1C2C0] =	vst v63  }
0x30: {  	_ =	swait.ge [sflag:s21], $0x13900  }
0x31: {  	[sflag:s21] =	ssyncset.done $0x0  }
0x32: {  	s28 =	simm.s32 $0x3B30;
	[sflag:s21] =	ssyncadd.s32 $0xFFFEC700  }
0x33: {  	s2 =	simm.s32 $0x0;
	s29 =	simm.s32 $0x3B30;
	s0 =	simm.s32 $0x40;
	v18 =	vld [tilespmem:s28+$0xFFFFFFB0]  }
.LBB2_4:
0x34: {  	p0 =	sne.s32 s0, $0x4E00;
	v19 =	vld [tilespmem:s2+$0x2720]  }
0x35: {  	v20 =	vld [tilespmem:s28+$0xFFFFFF90]  }
0x36: {  	v21 =	vld [tilespmem:s28+$0xFFFFFF80]  }
0x37: {  	v22 =	vld [tilespmem:s28+$0xFFFFFFA0]  }
0x38: {  	v23 =	vld [tilespmem:s28+$0xFFFFFFF0]  }
0x39: {  	v24 =	vperm.xlane v19, v1;
	v25 =	vperm.xlane v19, v2;
	v26 =	vld [tilespmem:s28+$0xFFFFFFD0]  }
0x3a: {  	v27 =	vperm.xlane v19, v3;
	v28 =	vperm.xlane v19, v4;
	v29 =	vld [tilespmem:s28+$0xFFFFFFC0]  }
0x3b: {  	v21 =	vmul.f32 v24, v21;
	v20 =	vmul.f32 v25, v20;
	v24 =	vld [tilespmem:s28+$0xFFFFFFE0]  }
0x3c: {  	v18 =	vmul.f32 v28, v18;
	v22 =	vmul.f32 v27, v22;
	v25 =	vld [tilespmem:s28+$0x30]  }
0x3d: {  	v27 =	vperm.xlane v19, v6;
	[tilespmem:s28+$0xFFFFFF80] =	vst v21;
	v21 =	vperm.xlane v19, v5;
	v28 =	vld [tilespmem:s28+$0x10]  }
0x3e: {  	v30 =	vperm.xlane v19, v8;
	[tilespmem:s28+$0xFFFFFF90] =	vst v20;
	v20 =	vperm.xlane v19, v7;
	v31 =	vld [tilespmem:s28+$0x0]  }
0x3f: {  	[tilespmem:s28+$0xFFFFFFA0] =	vst v22;
	v21 =	vmul.f32 v21, v29;
	v22 =	vmul.f32 v27, v26;
	v26 =	vld [tilespmem:s28+$0x20]  }
0x40: {  	[tilespmem:s28+$0xFFFFFFB0] =	vst v18;
	v18 =	vmul.f32 v20, v24;
	v20 =	vmul.f32 v30, v23;
	v23 =	vld [tilespmem:s28+$0x70]  }
0x41: {  	v24 =	vperm.xlane v19, v10;
	[tilespmem:s28+$0xFFFFFFC0] =	vst v21;
	v21 =	vperm.xlane v19, v9;
	v27 =	vld [tilespmem:s28+$0x50]  }
0x42: {  	v29 =	vperm.xlane v19, v12;
	[tilespmem:s28+$0xFFFFFFD0] =	vst v22;
	v22 =	vperm.xlane v19, v11;
	v30 =	vld [tilespmem:s28+$0x40]  }
0x43: {  	[tilespmem:s28+$0xFFFFFFE0] =	vst v18;
	v18 =	vmul.f32 v21, v31;
	v21 =	vmul.f32 v24, v28;
	v24 =	vld [tilespmem:s28+$0x60]  }
0x44: {  	[tilespmem:s28+$0xFFFFFFF0] =	vst v20;
	v20 =	vmul.f32 v22, v26;
	v22 =	vmul.f32 v29, v25  }
0x45: {  	v25 =	vperm.xlane v19, v14;
	[tilespmem:s28+$0x0] =	vst v18;
	v18 =	vperm.xlane v19, v13  }
0x46: {  	[tilespmem:s28+$0x10] =	vst v21;
	v21 =	vperm.xlane v19, v15;
	v19 =	vperm.xlane v19, v16  }
0x47: {  	[tilespmem:s28+$0x20] =	vst v20;
	v18 =	vmul.f32 v18, v30;
	v20 =	vmul.f32 v25, v27  }
.Ltmp1:
0x48: {  	[tilespmem:s28+$0x30] =	vst v22;
	v21 =	vmul.f32 v21, v24;
	v19 =	vmul.f32 v19, v23;
	(pc) =	sbr.rel @p0 .LBB2_4-.Ltmp1, $4  }
0x49: {  	[tilespmem:s28+$0x40] =	vst v18  }
0x4a: {  	[tilespmem:s28+$0x50] =	vst v20  }
0x4b: {  	s28 =	sadd.s32 $0x100, s28;
	[tilespmem:s29+$0x60] =	vst v21  }
0x4c: {  	s2 =	sshra.s32 s0, $0x2;
	s0 =	sadd.s32 $0x40, s0;
	v18 =	vld [tilespmem:s28+$0xFFFFFFB0];
	[tilespmem:s29+$0x70] =	vst v19;
	s29 =	smov.u32 s28  }
0x4d: {  	v19 =	vld [tilespmem:s2+$0x2720];
	_ =	sdelay $0x1  }
0x4e: {  	v20 =	vld [tilespmem:s28+$0xFFFFFF80]  }
0x4f: {  	v21 =	vld [tilespmem:s28+$0xFFFFFF90]  }
0x50: {  	v22 =	vld [tilespmem:s28+$0xFFFFFFA0]  }
0x51: {  	v23 =	vperm.xlane v19, v1  }
0x52: {  	v25 =	vld [tilespmem:s28+$0xFFFFFFC0];
	v24 =	vperm.xlane v19, v2  }
0x53: {  	v26 =	vld [tilespmem:s28+$0xFFFFFFD0];
	v27 =	vperm.xlane v19, v3;
	v20 =	vmul.f32 v23, v20  }
0x54: {  	v28 =	vld [tilespmem:s28+$0xFFFFFFF0];
	v23 =	vperm.xlane v19, v4;
	v21 =	vmul.f32 v24, v21  }
0x55: {  	v24 =	vld [tilespmem:s28+$0xFFFFFFE0];
	v22 =	vmul.f32 v27, v22;
	[tilespmem:s28+$0xFFFFFF80] =	vst v20;
	v20 =	vperm.xlane v19, v5  }
0x56: {  	v18 =	vmul.f32 v23, v18;
	v23 =	vperm.xlane v19, v6;
	[tilespmem:s28+$0xFFFFFF90] =	vst v21;
	v21 =	vld [tilespmem:s28+$0x0]  }
0x57: {  	v27 =	vld [tilespmem:s28+$0x10];
	[tilespmem:s28+$0xFFFFFFA0] =	vst v22;
	v22 =	vperm.xlane v19, v8;
	v20 =	vmul.f32 v20, v25  }
0x58: {  	v29 =	vperm.xlane v19, v7;
	v23 =	vmul.f32 v23, v26;
	v25 =	vld [tilespmem:s28+$0x20];
	[tilespmem:s28+$0xFFFFFFB0] =	vst v18  }
0x59: {  	v18 =	vld [tilespmem:s28+$0x30];
	v22 =	vmul.f32 v22, v28;
	[tilespmem:s28+$0xFFFFFFC0] =	vst v20;
	v20 =	vperm.xlane v19, v9  }
0x5a: {  	v26 =	vperm.xlane v19, v10;
	v24 =	vmul.f32 v29, v24;
	[tilespmem:s28+$0xFFFFFFD0] =	vst v23;
	v23 =	vld [tilespmem:s28+$0x40]  }
0x5b: {  	v51 =	vld [tilespmem:s28+$0x50];
	v52 =	vperm.xlane v19, v11;
	[tilespmem:s28+$0xFFFFFFF0] =	vst v22;
	v20 =	vmul.f32 v20, v21  }
0x5c: {  	[tilespmem:s28+$0xFFFFFFE0] =	vst v24;
	v24 =	vmul.f32 v26, v27;
	v26 =	vld [tilespmem:s28+$0x60];
	v21 =	vperm.xlane v19, v12  }
0x5d: {  	v22 =	vld [tilespmem:s28+$0x70];
	v25 =	vmul.f32 v52, v25;
	[tilespmem:s28+$0x0] =	vst v20;
	v20 =	vperm.xlane v19, v13  }
0x5e: {  	[tilespmem:s28+$0x10] =	vst v24;
	v18 =	vmul.f32 v21, v18;
	v21 =	vperm.xlane v19, v14  }
0x5f: {  	v24 =	vperm.xlane v19, v15;
	[tilespmem:s28+$0x20] =	vst v25;
	v20 =	vmul.f32 v20, v23  }
0x60: {  	v19 =	vperm.xlane v19, v16;
	v21 =	vmul.f32 v21, v51;
	[tilespmem:s28+$0x30] =	vst v18  }
0x61: {  	v18 =	vmul.f32 v24, v26;
	[tilespmem:s28+$0x40] =	vst v20  }
0x62: {  	v19 =	vmul.f32 v19, v22;
	[tilespmem:s28+$0x50] =	vst v21  }
0x63: {  	[tilespmem:s29+$0x60] =	vst v18  }
0x64: {  	s0 =	simm.s32 $0x0;
	[tilespmem:s29+$0x70] =	vst v19  }
0x65: {  	[spmem:s3] =	stream.indirect.scatter.add.f32 [tilespmem:s22], [sflag:$0x3], $0x10, s0, s16, $0xb8;
	[tilespmem:$0x1C2C0] =	vst v63  }
0x66: {  	_ =	swait.ge [sflag:s19], $0x13900  }
0x67: {  	[sflag:s19] =	ssyncset.done $0x0  }
0x68: {  	s17 =	sshll.u32 s1, $0x6;
	[sflag:s19] =	ssyncadd.s32 $0xFFFEC700  }
0x69: {  	s28 =	sor.u32 $0x1C03, s17;
	s29 =	sshrl.u32 s11, $0x3;
	[bflag:$0x0] =	sbarrier.arrive $0xFFFF  }
0x6a: {  	[hbm:s14], [sflag:s28] =	dma.local [spmem:s29], $0x4F0  }
0x6b: {  	_ =	swait.ge [sflag:s19], $0x4F0  }
0x6c: {  	[sflag:s19] =	ssyncset.done $0x0  }
0x6d: {  	[sflag:s19] =	ssyncadd.s32 $0xFFFFFB10  }
0x6e: {  	[spmem:s11] =	stream.linear.scatter [tilespmem:s18], [sflag:$0x3], $0x2780, $0x38;
	[tilespmem:$0x1C2C0] =	vst v63  }
0x6f: {  	_ =	swait.ge [sflag:s19], $0x2780  }
0x70: {  	[sflag:s19] =	ssyncset.done $0x0  }
0x71: {  	[sflag:s19] =	ssyncadd.s32 $0xFFFFD880  }
0x72: {  	[bflag:$0x0] =	sbarrier.arrive $0xFFFF  }
0x73: {  	[smem:s23], [sflag:$0x0] =	smem.add.s32 $0x0  }
0x74: {  	_ =	swait.done [sflag:s0]  }
0x75: {  	s30 =	ssyncread [sflag:$0x0];
	_ =	sdelay $0x2  }
0x76: {  	s30 =	sadd.s32 s12, s30  }
0x77: {  	s2 =	sor.u32 s24, s17;
	s30 =	sshll.u32 s30, $0x11  }
0x78: {  	[sflag:s0] =	ssyncset.s32 $0x0;
	s2 =	sor.u32 s30, s2  }
0x79: {  	[sflag:s0] =	ssyncset.done $0x0;
	s2 =	sor.u32 $0x1C02, s2  }
0x7a: {  	[sflag:s2] =	ssyncadd.remote.s32 $0x1  }
0x7b: {  	_ =	swait.ge [sflag:s25], $0x1  }
0x7c: {  	[sflag:s25] =	ssyncset.done $0x0  }
0x7d: {  	[sflag:s25] =	ssyncadd.s32 $0xFFFFFFFF  }
0x7e: {  	[tilespmem:s22], [sflag:$0x1] =	stream.indirect.gather [hbm4b:s6+s16], $0x10, s16, s16, $0xb8;
	[tilespmem:$0x1C2C0] =	vst v63  }
0x7f: {  	_ =	swait.ge [sflag:s21], $0x13900  }
0x80: {  	[sflag:s21] =	ssyncset.done $0x0  }
0x81: {  	[sflag:s21] =	ssyncadd.s32 $0xFFFEC700  }
0x82: {  	[tilespmem:s22], [sflag:$0x1] =	stream.indirect.gather.add.f32 [hbm:s7], $0x10, s16, s16, $0xb8;
	[tilespmem:$0x1C2C0] =	vst v63  }
0x83: {  	_ =	swait.ge [sflag:s21], $0x13900  }
0x84: {  	[sflag:s21] =	ssyncset.done $0x0  }
0x85: {  	s31 =	simm.s32 $0x3B30;
	[sflag:s21] =	ssyncadd.s32 $0xFFFEC700  }
0x86: {  	v18 =	vld [tilespmem:s31+$0xFFFFFFF0]  }
0x87: {  	v19 =	vld [tilespmem:s31+$0xFFFFFFB0]  }
0x88: {  	v20 =	vld [tilespmem:s31+$0x20]  }
0x89: {  	v21 =	vld [tilespmem:s31+$0x10]  }
0x8a: {  	s17 =	simm.s32 $0x0;
	v22 =	vld [tilespmem:s31+$0x60]  }
0x8b: {  	v23 =	vld [tilespmem:s17+$0x2720]  }
0x8c: {  	v24 =	vld [tilespmem:s31+$0x70]  }
0x8d: {  	v25 =	vld [tilespmem:s31+$0x0]  }
0x8e: {  	v26 =	vld [tilespmem:s31+$0x50]  }
0x8f: {  	v18 =	vadd.f32 v18, v17;
	v20 =	vadd.f32 v20, v17  }
0x90: {  	v19 =	vadd.f32 v19, v17;
	v21 =	vadd.f32 v21, v17  }
0x91: {  	v22 =	vadd.f32 v22, v17;
	v27 =	vperm.xlane v23, v4;
	v53 =	vperm.xlane v23, v8  }
0x92: {  	v54 =	vld [tilespmem:s31+$0xFFFFFF90];
	v30 =	vperm.xlane v23, v3;
	v31 =	vperm.xlane v23, v10;
	v24 =	vadd.f32 v24, v17  }
0x93: {  	s30 =	simm.s32 $0x3C30;
	v32 =	vld [tilespmem:s31+$0xFFFFFFD0];
	v25 =	vadd.f32 v25, v17;
	v33 =	vperm.xlane v23, v15;
	v26 =	vadd.f32 v26, v17  }
0x94: {  	v34 =	vld [tilespmem:s30+$0xFFFFFFF0];
	v56 =	vperm.xlane v23, v12;
	v36 =	vperm.xlane v23, v11;
	v21 =	vmax.f32 v21, $0.0e+00  }
0x95: {  	v35 =	vld [tilespmem:s31+$0xFFFFFF80];
	v58 =	vperm.xlane v23, v6;
	v19 =	vmax.f32 v19, $0.0e+00;
	v21 =	vmul.f32 v21, v31  }
0x96: {  	v55 =	vld [tilespmem:s31+$0x30];
	v59 =	vperm.xlane v23, v14;
	v18 =	vmax.f32 v18, $0.0e+00;
	v19 =	vmul.f32 v19, v27  }
0x97: {  	v60 =	vperm.xlane v23, v9;
	v20 =	vmax.f32 v20, $0.0e+00;
	v18 =	vmul.f32 v18, v53;
	[tilespmem:s31+$0x10] =	vst v21  }
0x98: {  	v22 =	vmax.f32 v22, $0.0e+00;
	v20 =	vmul.f32 v20, v36;
	[tilespmem:s31+$0xFFFFFFB0] =	vst v19;
	v21 =	vadd.f32 v54, v17  }
0x99: {  	v57 =	vld [tilespmem:s31+$0x40];
	v32 =	vadd.f32 v32, v17;
	v19 =	vmul.f32 v22, v33;
	v22 =	vperm.xlane v23, v2;
	[tilespmem:s31+$0xFFFFFFF0] =	vst v18  }
0x9a: {  	v61 =	vadd.f32 v34, v17;
	v62 =	vadd.f32 v35, v17;
	v18 =	vld [tilespmem:s31+$0xFFFFFFA0];
	[tilespmem:s31+$0x20] =	vst v20;
	v21 =	vmax.f32 v21, $0.0e+00  }
0x9b: {  	v20 =	vadd.f32 v55, v17;
	[tilespmem:s31+$0x60] =	vst v19;
	v19 =	vmax.f32 v26, $0.0e+00;
	v26 =	vld [tilespmem:s31+$0xFFFFFFC0];
	v21 =	vmul.f32 v21, v22  }
0x9c: {  	v25 =	vmax.f32 v25, $0.0e+00;
	v22 =	vmax.f32 v32, $0.0e+00;
	v19 =	vmul.f32 v19, v59  }
0x9d: {  	v27 =	vperm.xlane v23, v16;
	v20 =	vmax.f32 v20, $0.0e+00;
	v22 =	vmul.f32 v22, v58;
	[tilespmem:s31+$0xFFFFFF90] =	vst v21  }
0x9e: {  	v37 =	vld [tilespmem:s31+$0xFFFFFFE0];
	v24 =	vmax.f32 v24, $0.0e+00;
	v25 =	vmul.f32 v25, v60;
	v20 =	vmul.f32 v20, v56;
	[tilespmem:s31+$0x50] =	vst v19  }
0x9f: {  	v21 =	vmul.f32 v24, v27;
	v24 =	vperm.xlane v23, v1;
	v18 =	vadd.f32 v18, v17;
	[tilespmem:s31+$0xFFFFFFD0] =	vst v22  }
0xa0: {  	v19 =	vadd.f32 v57, v17;
	v22 =	vmax.f32 v62, $0.0e+00;
	v27 =	vld [tilespmem:s30+$0x20];
	[tilespmem:s31+$0x0] =	vst v25;
	v26 =	vadd.f32 v26, v17  }
0xa1: {  	[tilespmem:s31+$0x70] =	vst v21;
	v63 =	vld [tilespmem:s30+$0xFFFFFFB0];
	v21 =	vmul.f32 v22, v24;
	v22 =	vperm.xlane v23, v5;
	v18 =	vmax.f32 v18, $0.0e+00  }
0xa2: {  	[tilespmem:s31+$0x30] =	vst v20;
	v24 =	vperm.xlane v23, v13;
	v18 =	vmul.f32 v18, v30;
	v25 =	vmax.f32 v26, $0.0e+00  }
0xa3: {  	v19 =	vmax.f32 v19, $0.0e+00;
	[tilespmem:s31+$0xFFFFFF80] =	vst v21;
	v26 =	vadd.f32 v37, v17;
	v22 =	vmul.f32 v25, v22  }
0xa4: {  	v20 =	vld [tilespmem:s30+$0x10];
	v23 =	vperm.xlane v23, v7;
	v25 =	vmul.f32 v19, v24;
	[tilespmem:s31+$0xFFFFFFA0] =	vst v18  }
0xa5: {  	v21 =	vld [tilespmem:s30+$0x60];
	v18 =	vmax.f32 v61, $0.0e+00;
	v24 =	vmax.f32 v26, $0.0e+00;
	[tilespmem:s31+$0xFFFFFFC0] =	vst v22  }
0xa6: {  	s0 =	simm.s32 $0x80;
	s2 =	simm.s32 $0x10;
	v19 =	vld [tilespmem:s30+$0x70];
	v24 =	vmul.f32 v24, v23;
	v22 =	vadd.f32 v63, v17;
	v23 =	vadd.f32 v27, v17;
	[tilespmem:s31+$0x40] =	vst v25  }
.LBB2_6:
0xa7: {  	p0 =	sne.s32 s0, $0x4E00;
	s17 =	smov.u32 s0  }
0xa8: {  	[tilespmem:s31+$0xFFFFFFE0] =	vst v24;
	s0 =	sadd.s32 $0x40, s0;
	s31 =	smov.u32 s30;
	s30 =	sadd.s32 $0x100, s30  }
0xa9: {  	v24 =	vld [tilespmem:s2+$0x2720];
	v23 =	vmax.f32 v23, $0.0e+00  }
0xaa: {  	v25 =	vld [tilespmem:s31+$0x50]  }
0xab: {  	v20 =	vadd.f32 v20, v17;
	v26 =	vld [tilespmem:s31+$0x0]  }
0xac: {  	v21 =	vadd.f32 v21, v17;
	v27 =	vld [tilespmem:s31+$0xFFFFFFD0]  }
0xad: {  	v22 =	vmax.f32 v22, $0.0e+00;
	v28 =	vld [tilespmem:s31+$0xFFFFFF80]  }
0xae: {  	v20 =	vmax.f32 v20, $0.0e+00;
	v29 =	vld [tilespmem:s31+$0xFFFFFF90];
	v30 =	vperm.xlane v24, v4;
	v31 =	vperm.xlane v24, v8  }
0xaf: {  	v19 =	vadd.f32 v19, v17;
	v32 =	vperm.xlane v24, v3;
	v33 =	vperm.xlane v24, v10  }
0xb0: {  	v25 =	vadd.f32 v25, v17;
	v22 =	vmul.f32 v22, v30;
	v30 =	vperm.xlane v24, v16  }
0xb1: {  	v34 =	vperm.xlane v24, v15;
	v26 =	vadd.f32 v26, v17;
	v20 =	vmul.f32 v20, v33;
	v33 =	vld [tilespmem:s31+$0x30]  }
0xb2: {  	v21 =	vmax.f32 v21, $0.0e+00;
	v18 =	vmul.f32 v18, v31;
	v35 =	vld [tilespmem:s30+$0xFFFFFFF0];
	[tilespmem:s31+$0xFFFFFFB0] =	vst v22;
	v22 =	vperm.xlane v24, v12  }
0xb3: {  	v31 =	vperm.xlane v24, v11;
	v21 =	vmul.f32 v21, v34;
	v26 =	vmax.f32 v26, $0.0e+00  }
0xb4: {  	s2 =	sshra.s32 s17, $0x2;
	v36 =	vperm.xlane v24, v6;
	v34 =	vperm.xlane v24, v2;
	v29 =	vadd.f32 v29, v17;
	[tilespmem:s31+$0x10] =	vst v20  }
0xb5: {  	v37 =	vperm.xlane v24, v14;
	v19 =	vmax.f32 v19, $0.0e+00;
	v20 =	vadd.f32 v27, v17;
	v27 =	vld [tilespmem:s31+$0x40];
	[tilespmem:s31+$0x60] =	vst v21  }
0xb6: {  	v25 =	vmax.f32 v25, $0.0e+00;
	v23 =	vmul.f32 v23, v31;
	v21 =	vmax.f32 v29, $0.0e+00;
	v29 =	vld [tilespmem:s31+$0xFFFFFFE0]  }
0xb7: {  	v21 =	vmul.f32 v21, v34;
	v20 =	vmax.f32 v20, $0.0e+00;
	v34 =	vperm.xlane v24, v9;
	v31 =	vld [tilespmem:s31+$0xFFFFFFA0];
	[tilespmem:s31+$0xFFFFFFF0] =	vst v18  }
0xb8: {  	v18 =	vadd.f32 v35, v17;
	v20 =	vmul.f32 v20, v36;
	v35 =	vld [tilespmem:s31+$0xFFFFFFC0];
	[tilespmem:s31+$0x20] =	vst v23;
	v23 =	vadd.f32 v33, v17  }
0xb9: {  	v28 =	vadd.f32 v28, v17;
	v19 =	vmul.f32 v19, v30;
	[tilespmem:s31+$0xFFFFFF90] =	vst v21;
	v21 =	vmul.f32 v25, v37  }
0xba: {  	v18 =	vmax.f32 v18, $0.0e+00;
	v25 =	vperm.xlane v24, v1;
	[tilespmem:s31+$0xFFFFFFD0] =	vst v20;
	v20 =	vmax.f32 v23, $0.0e+00  }
0xbb: {  	v28 =	vmax.f32 v28, $0.0e+00;
	v26 =	vmul.f32 v26, v34;
	v27 =	vadd.f32 v27, v17;
	v23 =	vld [tilespmem:s30+$0xFFFFFFB0];
	[tilespmem:s31+$0x50] =	vst v21  }
0xbc: {  	v21 =	vmul.f32 v28, v25;
	v20 =	vmul.f32 v20, v22;
	v30 =	vld [tilespmem:s30+$0x20];
	v25 =	vadd.f32 v31, v17  }
0xbd: {  	v28 =	vperm.xlane v24, v5;
	v31 =	vperm.xlane v24, v7;
	v22 =	vadd.f32 v35, v17;
	[tilespmem:s31+$0x70] =	vst v19  }
0xbe: {  	v24 =	vperm.xlane v24, v13;
	[tilespmem:s31+$0xFFFFFF80] =	vst v21;
	v19 =	vmax.f32 v25, $0.0e+00;
	v21 =	vadd.f32 v29, v17  }
.Ltmp2:
0xbf: {  	v25 =	vmax.f32 v27, $0.0e+00;
	v19 =	vmul.f32 v19, v32;
	v22 =	vmax.f32 v22, $0.0e+00;
	[tilespmem:s31+$0x0] =	vst v26;
	(pc) =	sbr.rel @p0 .LBB2_6-.Ltmp2, $4  }
0xc0: {  	v25 =	vmul.f32 v25, v24;
	v26 =	vmul.f32 v22, v28;
	v21 =	vmax.f32 v21, $0.0e+00;
	[tilespmem:s31+$0x30] =	vst v20  }
0xc1: {  	v20 =	vld [tilespmem:s30+$0x10];
	[tilespmem:s31+$0xFFFFFFA0] =	vst v19;
	v24 =	vmul.f32 v21, v31  }
0xc2: {  	v22 =	vadd.f32 v23, v17;
	v21 =	vld [tilespmem:s30+$0x60];
	[tilespmem:s31+$0xFFFFFFC0] =	vst v26  }
0xc3: {  	v23 =	vadd.f32 v30, v17;
	v19 =	vld [tilespmem:s30+$0x70];
	[tilespmem:s31+$0x40] =	vst v25  }
0xc4: {  	[tilespmem:s31+$0xFFFFFFE0] =	vst v24;
	v26 =	vld [tilespmem:s30+$0x50]  }
0xc5: {  	v24 =	vld [tilespmem:s2+$0x2720];
	_ =	sdelay $0x1  }
0xc6: {  	v29 =	vld [tilespmem:s30+$0xFFFFFF90];
	v20 =	vadd.f32 v20, v17  }
0xc7: {  	v22 =	vmax.f32 v22, $0.0e+00;
	v33 =	vld [tilespmem:s30+$0x30];
	v23 =	vmax.f32 v23, $0.0e+00  }
0xc8: {  	v34 =	vld [tilespmem:s30+$0xFFFFFF80];
	v21 =	vadd.f32 v21, v17;
	v20 =	vmax.f32 v20, $0.0e+00;
	v19 =	vadd.f32 v19, v17  }
0xc9: {  	v46 =	vld [tilespmem:s30+$0x40];
	v26 =	vadd.f32 v26, v17;
	v27 =	vperm.xlane v24, v4;
	v28 =	vperm.xlane v24, v8  }
0xca: {  	v25 =	vld [tilespmem:s30+$0x0];
	v21 =	vmax.f32 v21, $0.0e+00;
	v30 =	vperm.xlane v24, v3;
	v31 =	vperm.xlane v24, v10  }
0xcb: {  	v44 =	vadd.f32 v29, v17;
	v40 =	vperm.xlane v24, v16;
	v41 =	vperm.xlane v24, v15  }
0xcc: {  	v53 =	vadd.f32 v33, v17;
	v42 =	vperm.xlane v24, v12;
	v20 =	vmul.f32 v20, v31  }
0xcd: {  	v32 =	vld [tilespmem:s30+$0xFFFFFFD0];
	v54 =	vadd.f32 v34, v17;
	v35 =	vperm.xlane v24, v11;
	v22 =	vmul.f32 v22, v27  }
0xce: {  	v60 =	vadd.f32 v46, v17;
	v45 =	vperm.xlane v24, v2;
	v18 =	vmul.f32 v18, v28;
	[tilespmem:s30+$0x10] =	vst v20  }
0xcf: {  	v52 =	vld [tilespmem:s30+$0xFFFFFFC0];
	v25 =	vadd.f32 v25, v17;
	v48 =	vperm.xlane v24, v14;
	v43 =	vmul.f32 v21, v41;
	[tilespmem:s30+$0xFFFFFFB0] =	vst v22  }
0xd0: {  	v47 =	vperm.xlane v24, v6;
	v26 =	vmax.f32 v26, $0.0e+00;
	v23 =	vmul.f32 v23, v35;
	[tilespmem:s30+$0xFFFFFFF0] =	vst v18  }
0xd1: {  	v19 =	vmax.f32 v19, $0.0e+00;
	v56 =	vperm.xlane v24, v1;
	v55 =	vmul.f32 v26, v48;
	[tilespmem:s30+$0x60] =	vst v43  }
0xd2: {  	v32 =	vadd.f32 v32, v17;
	v58 =	vmax.f32 v54, $0.0e+00;
	v19 =	vmul.f32 v19, v40;
	v18 =	vld [tilespmem:s30+$0xFFFFFFA0];
	[tilespmem:s30+$0x20] =	vst v23  }
0xd3: {  	v36 =	vld [tilespmem:s30+$0xFFFFFFE0];
	v51 =	vperm.xlane v24, v9;
	v21 =	vmax.f32 v44, $0.0e+00;
	v59 =	vmul.f32 v58, v56;
	[tilespmem:s30+$0x50] =	vst v55  }
0xd4: {  	v61 =	vadd.f32 v52, v17;
	v50 =	vmax.f32 v32, $0.0e+00;
	v49 =	vmul.f32 v21, v45;
	[tilespmem:s30+$0x70] =	vst v19  }
0xd5: {  	v62 =	vperm.xlane v24, v13;
	v25 =	vmax.f32 v25, $0.0e+00;
	v21 =	vmul.f32 v50, v47;
	[tilespmem:s30+$0xFFFFFF80] =	vst v59  }
0xd6: {  	v57 =	vmax.f32 v53, $0.0e+00;
	v22 =	vmul.f32 v25, v51;
	v19 =	vperm.xlane v24, v5;
	[tilespmem:s30+$0xFFFFFF90] =	vst v49  }
0xd7: {  	v23 =	vmax.f32 v60, $0.0e+00;
	[tilespmem:s30+$0xFFFFFFD0] =	vst v21;
	v21 =	vmul.f32 v57, v42;
	v18 =	vadd.f32 v18, v17  }
0xd8: {  	v25 =	vmax.f32 v61, $0.0e+00;
	v20 =	vmul.f32 v23, v62;
	[tilespmem:s30+$0x0] =	vst v22;
	v17 =	vadd.f32 v36, v17  }
0xd9: {  	v63 =	vperm.xlane v24, v7;
	v19 =	vmul.f32 v25, v19;
	[tilespmem:s30+$0x30] =	vst v21;
	v18 =	vmax.f32 v18, $0.0e+00  }
0xda: {  	[tilespmem:s30+$0x40] =	vst v20;
	v17 =	vmax.f32 v17, $0.0e+00;
	v18 =	vmul.f32 v18, v30  }
0xdb: {  	[tilespmem:s30+$0xFFFFFFC0] =	vst v19;
	v17 =	vmul.f32 v17, v63  }
0xdc: {  	[tilespmem:s30+$0xFFFFFFA0] =	vst v18  }
0xdd: {  	[tilespmem:s30+$0xFFFFFFE0] =	vst v17  }
0xde: {  	[spmem:s3] =	stream.indirect.scatter.add.f32 [tilespmem:s22], [sflag:$0x3], $0x10, s4, s16, $0xb8;
	[tilespmem:$0x1C2C0] =	vst v63  }
0xdf: {  	_ =	swait.ge [sflag:s19], $0x13900  }
0xe0: {  	s26 =	sadd.s32 $0x1, s26;
	[sflag:s19] =	ssyncset.done $0x0  }
0xe1: {  	p0 =	sne.s32 s26, s13;
	[sflag:s19] =	ssyncadd.s32 $0xFFFEC700  }
.Ltmp3:
0xe2: {  	[bflag:$0x0] =	sbarrier.arrive $0xFFFF;
	(pc) =	sbr.rel @p0 .LBB2_1-.Ltmp3, $4  }
0xe3: {  	[hbm:s15], [sflag:s28] =	dma.local [spmem:s29], $0x4F0  }
0xe4: {  	_ =	swait.ge [sflag:s19], $0x4F0  }
0xe5: {  	[sflag:s19] =	ssyncset.done $0x0  }
0xe6: {  	[sflag:s19] =	ssyncadd.s32 $0xFFFFFB10  }
0xe7: {  	_ =	sfence.sel $0x180000  }
0xe8: {  	[bflag:$0x0] =	sbarrier.arrive $0xFFFF  }
0xe9: {  	_ =	strace $0x90000047  }
0xea: {  	[bflag:$0x2] =	sbarrier.arrive $0xFFFF  }
0xeb: {  	p0 =	sne.s32 s1, $0x0;
	s0 =	rddreg [dreg:$0x3]  }
0xec: {  	s0 =	sadd.s32 @!p0 $0x100000, s0  }
0xed: {  	[sflag:s0] =	ssyncadd.tile.s32 @!p0 $0x1;
	_ =	shalt  }
.Lfunc_end2:
_tile_overlayer_lowered:
.L_overlay_start_2:
0xee: {  	(tag) =	ssettag $0x2  }
0xef: {  	s0 =	rddreg [dreg:$0x0];
	s2 =	stileid.u32  }
0xf0: {  	s1 =	rddreg [dreg:$0x1];
	p0 =	sne.s32 s2, $0x0  }
0xf1: {  	s3 =	rddreg [dreg:$0x2];
	[bflag:$0x3] =	sbarrier.arrive $0xFFFF;
	s2 =	simm.s32 @!p0 $0x1C03  }
0xf2: {  	[timem:s3], [sflag:s2] =	dma.local @!p0 [hbm:s0], s1  }
0xf3: {  	s0 =	simm.s32 @!p0 $0x3  }
0xf4: {  	_ =	swait.ge @!p0 [sflag:s0], s1  }
0xf5: {  	s1 =	ssub.s32 @!p0 $0x0, s1;
	[sflag:s0] =	ssyncset.done @!p0 $0x0  }
0xf6: {  	[sflag:s0] =	ssyncadd.s32 @!p0 s1  }
0xf7: {  	[bflag:$0x3] =	sbarrier.arrive $0xFFFF  }
0xf8: {  	_ =	shalt  }

</sc_bundles>
